<compile_context>
chip_gen: v7x
topology: tpu7x:2x2x1
jax: 0.10.2.dev20260603
libtpu: 0.0.44.dev20260713+nightly
codegen_flags: <defaults>
</compile_context>

<pallas_src>
import functools

import jax
import jax.numpy as jnp
from jax import lax
from jax.experimental import pallas as pl
from jax.experimental.pallas import tpu as pltpu
from jax.experimental.pallas import tpu_sc as plsc

S = 14
L_COORD = 5.0
L_NOOBJ = 0.5
N_CLS = 20
N_BATCH = 256

_NC = 2
_NS = 16
_NW = _NC * _NS
_NCELL = N_BATCH * S * S
_CPW = _NCELL // _NW
_GROUPS = _CPW // 16
_LN2 = 0.6931471805599453


def _ln(x):
    bits = plsc.bitcast(x, jnp.int32)
    e = ((bits >> 23) - 127).astype(jnp.float32)
    mant = plsc.bitcast((bits & 0x007FFFFF) | 0x3F800000, jnp.float32)
    s = (mant - 1.0) / (mant + 1.0)
    s2 = s * s
    lnm = 2.0 * s * (1.0 + s2 * (1.0 / 3.0 + s2 * (0.2 + s2 * (1.0 / 7.0))))
    return e * _LN2 + lnm


_OFF_TBOX = _NCELL * 30
_OFF_TCLS = _OFF_TBOX + _NCELL * 4
_OFF_MASK = _OFF_TCLS + _NCELL * N_CLS


def _sc_body(big_hbm, out_hbm,
             pred_v, tbox_v, tcls_v, mask_v, part_v):
    w = lax.axis_index("c") * _NS + lax.axis_index("s")
    c0 = w * _CPW
    pltpu.sync_copy(big_hbm.at[pl.ds(c0 * 30, _CPW * 30)], pred_v)
    pltpu.sync_copy(big_hbm.at[pl.ds(_OFF_TBOX + c0 * 4, _CPW * 4)], tbox_v)
    pltpu.sync_copy(big_hbm.at[pl.ds(_OFF_TCLS + c0 * N_CLS, _CPW * N_CLS)], tcls_v)
    pltpu.sync_copy(big_hbm.at[pl.ds(_OFF_MASK + c0, _CPW)], mask_v)

    lane = lax.iota(jnp.int32, 16)
    inv_s = 1.0 / S

    def group(g, acc):
        a_mask, a_ce, a_noobj, a_reg, a_contain = acc
        cell = g * 16 + lane

        def pred_f(f):
            return plsc.load_gather(pred_v, [cell * 30 + f])

        mask = plsc.load_gather(mask_v, [cell])

        logits = [pred_f(10 + c) for c in range(N_CLS)]
        m = logits[0]
        for c in range(1, N_CLS):
            m = jnp.maximum(m, logits[c])
        se = jnp.exp(logits[0] - m)
        best_t = plsc.load_gather(tcls_v, [cell * N_CLS])
        sel = logits[0]
        for c in range(1, N_CLS):
            se = se + jnp.exp(logits[c] - m)
            t = plsc.load_gather(tcls_v, [cell * N_CLS + c])
            upd = t > best_t
            best_t = jnp.where(upd, t, best_t)
            sel = jnp.where(upd, logits[c], sel)
        ce = m + _ln(se) - sel

        tbx = plsc.load_gather(tbox_v, [cell * 4])
        tby = plsc.load_gather(tbox_v, [cell * 4 + 1])
        tbw = plsc.load_gather(tbox_v, [cell * 4 + 2])
        tbh = plsc.load_gather(tbox_v, [cell * 4 + 3])
        tx1 = tbx * inv_s - 0.5 * tbw
        ty1 = tby * inv_s - 0.5 * tbh
        tx2 = tbx * inv_s + 0.5 * tbw
        ty2 = tby * inv_s + 0.5 * tbh
        t_area = (tx2 - tx1) * (ty2 - ty1)

        def box(o):
            px, py = pred_f(o), pred_f(o + 1)
            pw, ph = pred_f(o + 2), pred_f(o + 3)
            x1 = px * inv_s - 0.5 * pw
            y1 = py * inv_s - 0.5 * ph
            x2 = px * inv_s + 0.5 * pw
            y2 = py * inv_s + 0.5 * ph
            ix = jnp.maximum(jnp.minimum(x2, tx2) - jnp.maximum(x1, tx1), 0.0)
            iy = jnp.maximum(jnp.minimum(y2, ty2) - jnp.maximum(y1, ty1), 0.0)
            inter = ix * iy
            union = (x2 - x1) * (y2 - y1) + t_area - inter
            iou = inter / jnp.maximum(union, 1e-9)
            return (x1, y1, x2, y2), iou

        (bx0, iou0), (bx1, iou1) = box(0), box(5)
        conf0, conf1 = pred_f(4), pred_f(9)
        upd = iou1 > iou0
        best_iou = jnp.where(upd, iou1, iou0)
        best_conf = jnp.where(upd, conf1, conf0)

        reg = jnp.zeros((16,), jnp.float32)
        for p0, p1, tc in zip(bx0, bx1, (tx1, ty1, tx2, ty2)):
            d = jnp.where(upd, p1, p0) - tc
            reg = reg + d * d

        dcf = best_conf - best_iou
        return (a_mask + mask,
                a_ce + mask * ce,
                a_noobj + (1.0 - mask) * (conf0 * conf0 + conf1 * conf1),
                a_reg + mask * reg,
                a_contain + mask * dcf * dcf)

    zero = jnp.zeros((16,), jnp.float32)
    acc = lax.fori_loop(0, _GROUPS, group, (zero, zero, zero, zero, zero))
    for k in range(5):
        part_v[k, :] = acc[k]
    pltpu.sync_copy(part_v, out_hbm.at[w])


_sc_partials = functools.partial(
    pl.kernel,
    out_type=jax.ShapeDtypeStruct((_NW, 5, 16), jnp.float32),
    mesh=plsc.VectorSubcoreMesh(core_axis_name="c", subcore_axis_name="s",
                                num_cores=_NC, num_subcores=_NS),
    compiler_params=pltpu.CompilerParams(needs_layout_passes=False),
    scratch_types=[
        pltpu.VMEM((_CPW * 30,), jnp.float32),
        pltpu.VMEM((_CPW * 4,), jnp.float32),
        pltpu.VMEM((_CPW * N_CLS,), jnp.float32),
        pltpu.VMEM((_CPW,), jnp.float32),
        pltpu.VMEM((5, 16), jnp.float32),
    ],
)(_sc_body)


def _final_kernel(part_ref, out_ref):
    x = part_ref[...]
    s_mask = jnp.sum(x[:, 0, :])
    s_ce = jnp.sum(x[:, 1, :])
    s_noobj = jnp.sum(x[:, 2, :])
    s_reg = jnp.sum(x[:, 3, :])
    s_contain = jnp.sum(x[:, 4, :])
    n_obj = jnp.maximum(s_mask, 1.0)
    n_noobj = jnp.maximum(float(_NCELL) - s_mask, 1.0)
    total = (1.0 / N_BATCH) * (L_COORD * s_reg + s_contain
                               + L_NOOBJ * s_noobj / n_noobj + s_ce / n_obj)
    out_ref[:, :] = jnp.broadcast_to(total, (1, 1))


def kernel(pred_tensor, target_boxes, target_cls, has_object_map):
    big = jnp.concatenate([
        pred_tensor.reshape(-1), target_boxes.reshape(-1),
        target_cls.reshape(-1), has_object_map.astype(jnp.float32).reshape(-1)])
    parts = _sc_partials(big)
    out = pl.pallas_call(
        _final_kernel,
        out_shape=jax.ShapeDtypeStruct((1, 1), jnp.float32),
    )(parts)
    return out[0, 0]

# --- scband reference (transcript-rebuilt; emitter-appended) ---
"""Pipeline reference for scband-yolo-loss-13993003450618 (READ-ONLY COPY).

The authoritative reference and input builder live on the scoring server;
editing this copy changes nothing except your own understanding.
"""

import jax, jax.numpy as jnp
import numpy as np

S = 14
B = 2
L_COORD = 5.0
L_NOOBJ = 0.5
N_BATCH = 256
N_CLS = 20


def setup_inputs(seed: int = 0) -> dict:
    key = jax.random.key(seed)
    k1, k2, k3, k4 = jax.random.split(key, 4)
    pred_tensor = jax.random.normal(k1, (N_BATCH, S, S, B * 5 + N_CLS), dtype=jnp.float32)
    target_boxes = jax.random.uniform(k2, (N_BATCH, S, S, 4), dtype=jnp.float32)
    target_cls = jax.random.uniform(k3, (N_BATCH, S, S, N_CLS), dtype=jnp.float32)
    has_object_map = jax.random.randint(k4, (N_BATCH, S, S), 0, 2).astype(bool)
    return {
        'pred_tensor': pred_tensor,
        'target_boxes': target_boxes,
        'target_cls': target_cls,
        'has_object_map': has_object_map,
    }


def _xywh2xyxy(b):
    # x,y are cell-relative centers scaled by S (matches original: x/S - 0.5*w etc.)
    x, y, w, h = b[..., 0], b[..., 1], b[..., 2], b[..., 3]
    return jnp.stack([x / S - 0.5 * w, y / S - 0.5 * h, x / S + 0.5 * w, y / S + 0.5 * h], axis=-1)


def _iou_elementwise(a, b):
    # a, b: (..., 4) in x1,y1,x2,y2 format; element-wise (diagonal of compute_iou)
    x1 = jnp.maximum(a[..., 0], b[..., 0])
    y1 = jnp.maximum(a[..., 1], b[..., 1])
    x2 = jnp.minimum(a[..., 2], b[..., 2])
    y2 = jnp.minimum(a[..., 3], b[..., 3])
    inter = jnp.clip(x2 - x1, 0.0) * jnp.clip(y2 - y1, 0.0)
    area_a = (a[..., 2] - a[..., 0]) * (a[..., 3] - a[..., 1])
    area_b = (b[..., 2] - b[..., 0]) * (b[..., 3] - b[..., 1])
    union = area_a + area_b - inter
    return inter / jnp.maximum(union, 1e-9)


def _yolo_loss(pred_tensor, target_boxes, target_cls, has_object_map):
    N = pred_tensor.shape[0]
    mask = has_object_map.astype(jnp.float32)           # (N,S,S)
    no_mask = 1.0 - mask

    pred_boxes = pred_tensor[..., : B * 5].reshape(N, S, S, B, 5)  # (N,S,S,B,5)
    pred_cls = pred_tensor[..., B * 5 :]                           # (N,S,S,20)

    # ---- class loss: cross-entropy over object cells (mean) ----
    logp = jax.nn.log_softmax(pred_cls, axis=-1)
    tgt_idx = jnp.argmax(target_cls, axis=-1)
    ce = -jnp.take_along_axis(logp, tgt_idx[..., None], axis=-1)[..., 0]  # (N,S,S)
    n_obj = jnp.maximum(jnp.sum(mask), 1.0)
    cls_loss = jnp.sum(mask * ce) / n_obj

    # ---- no-object loss: mean conf^2 over non-object cells, summed over B boxes ----
    conf = pred_boxes[..., 4]                           # (N,S,S,B)
    n_noobj = jnp.maximum(jnp.sum(no_mask), 1.0)
    no_obj_loss = jnp.sum(jnp.sum(no_mask[..., None] * conf ** 2, axis=(0, 1, 2)) / n_noobj)

    # ---- best-iou box selection among B predictions per cell ----
    pred_xyxy = _xywh2xyxy(pred_boxes[..., :4])         # (N,S,S,B,4)
    tgt_xyxy = _xywh2xyxy(target_boxes)                 # (N,S,S,4)
    ious = _iou_elementwise(pred_xyxy, tgt_xyxy[..., None, :])  # (N,S,S,B)
    best_iou = jnp.max(ious, axis=-1)                   # (N,S,S)
    best_idx = jnp.argmax(ious, axis=-1)                # (N,S,S)
    idx4 = jnp.broadcast_to(best_idx[..., None, None], (N, S, S, 1, 4))
    best_box_xyxy = jnp.take_along_axis(pred_xyxy, idx4, axis=3)[..., 0, :]  # (N,S,S,4)
    best_conf = jnp.take_along_axis(conf, best_idx[..., None], axis=-1)[..., 0]  # (N,S,S)

    # ---- regression loss (sum over object cells) ----
    reg_loss = jnp.sum(mask[..., None] * (best_box_xyxy - tgt_xyxy) ** 2)

    # ---- containing-object confidence loss (target iou detached) ----
    contain_loss = jnp.sum(mask * (best_conf - jax.lax.stop_gradient(best_iou)) ** 2)

    inv_N = 1.0 / N
    total_loss = inv_N * (L_COORD * reg_loss + contain_loss + L_NOOBJ * no_obj_loss + cls_loss)
    return total_loss


def reference(pred_tensor, target_boxes, target_cls, has_object_map):
    return _yolo_loss(pred_tensor, target_boxes, target_cls, has_object_map)

if __name__ == "__main__":
    import jax
    _d = setup_inputs()
    print(jax.jit(kernel)(*tuple(_d.values())))

</pallas_src>

<mosaic_0001>
#map = affine_map<(d0, d1) -> (0)>
#map1 = affine_map<(d0, d1) -> (0, 0, 0)>
module attributes {stable_mosaic.version = 14 : i64} {
  func.func @_sc_body(%arg0: i32, %arg1: i32, %arg2: memref<2759680xf32, #tpu.memory_space<hbm>>, %arg3: memref<32x5x16xf32, #tpu.memory_space<hbm>>, %arg4: memref<47040xf32, #tpu.memory_space<vmem>>, %arg5: memref<6272xf32, #tpu.memory_space<vmem>>, %arg6: memref<31360xf32, #tpu.memory_space<vmem>>, %arg7: memref<1568xf32, #tpu.memory_space<vmem>>, %arg8: memref<5x16xf32, #tpu.memory_space<vmem>>) attributes {dimension_semantics = [#tpu.dimension_semantics<core_parallel>, #tpu.dimension_semantics<subcore_parallel>], iteration_bounds = array<i64: 2, 16>, scalar_prefetch = 0 : i64, scratch_operands = 5 : i64, tpu.core_type = #tpu.core_type<sc_vector_subcore>, window_params = [{transform_indices = #map}, {transform_indices = #map1}]} {
    %mul3A = arith.constant 16 : i32
    %mul3A_0 = arith.muli %arg0, %mul3A : i32
    %add3A = arith.addi %mul3A_0, %arg1 : i32
    %mul3A_1 = arith.constant 1568 : i32
    %mul3A_2 = arith.muli %add3A, %mul3A_1 : i32
    %mul3A_3 = arith.constant 30 : i32
    %mul3A_4 = arith.muli %mul3A_2, %mul3A_3 : i32
    "tpu.region"() ({
      %run_scoped3A = tpu.sem_alloc : memref<!tpu.dma_semaphore, #tpu.memory_space<semaphore_mem>>
      %dma_start3A = tpu.memref_slice %arg2[%mul3A_4] : memref<2759680xf32, #tpu.memory_space<hbm>> -> memref<47040xf32, #tpu.memory_space<hbm>>
      %dma_start3A_40 = tpu.memref_slice %arg2[%mul3A_4] : memref<2759680xf32, #tpu.memory_space<hbm>> -> memref<47040xf32, #tpu.memory_space<hbm>>
      tpu.enqueue_dma source(%dma_start3A_40 : memref<47040xf32, #tpu.memory_space<hbm>>) target(%arg4 : memref<47040xf32, #tpu.memory_space<vmem>>) target_semaphore(%run_scoped3A : memref<!tpu.dma_semaphore, #tpu.memory_space<semaphore_mem>>)
      %dma_wait3A = tpu.memref_slice %arg2[%mul3A_4] : memref<2759680xf32, #tpu.memory_space<hbm>> -> memref<47040xf32, #tpu.memory_space<hbm>>
      %dma_wait3A_41 = tpu.memref_slice %arg2[%mul3A_4] : memref<2759680xf32, #tpu.memory_space<hbm>> -> memref<47040xf32, #tpu.memory_space<hbm>>
      tpu.wait_dma2 semaphore(%run_scoped3A : memref<!tpu.dma_semaphore, #tpu.memory_space<semaphore_mem>>) src(%dma_wait3A_41 : memref<47040xf32, #tpu.memory_space<hbm>>) dst(%arg4 : memref<47040xf32, #tpu.memory_space<vmem>>)
      tpu.yield
    }) : () -> ()
    %mul3A_5 = arith.constant 4 : i32
    %mul3A_6 = arith.muli %mul3A_2, %mul3A_5 : i32
    %add3A_7 = arith.constant 1505280 : i32
    %add3A_8 = arith.addi %add3A_7, %mul3A_6 : i32
    "tpu.region"() ({
      %run_scoped3A = tpu.sem_alloc : memref<!tpu.dma_semaphore, #tpu.memory_space<semaphore_mem>>
      %dma_start3A = tpu.memref_slice %arg2[%add3A_8] : memref<2759680xf32, #tpu.memory_space<hbm>> -> memref<6272xf32, #tpu.memory_space<hbm>>
      %dma_start3A_40 = tpu.memref_slice %arg2[%add3A_8] : memref<2759680xf32, #tpu.memory_space<hbm>> -> memref<6272xf32, #tpu.memory_space<hbm>>
      tpu.enqueue_dma source(%dma_start3A_40 : memref<6272xf32, #tpu.memory_space<hbm>>) target(%arg5 : memref<6272xf32, #tpu.memory_space<vmem>>) target_semaphore(%run_scoped3A : memref<!tpu.dma_semaphore, #tpu.memory_space<semaphore_mem>>)
      %dma_wait3A = tpu.memref_slice %arg2[%add3A_8] : memref<2759680xf32, #tpu.memory_space<hbm>> -> memref<6272xf32, #tpu.memory_space<hbm>>
      %dma_wait3A_41 = tpu.memref_slice %arg2[%add3A_8] : memref<2759680xf32, #tpu.memory_space<hbm>> -> memref<6272xf32, #tpu.memory_space<hbm>>
      tpu.wait_dma2 semaphore(%run_scoped3A : memref<!tpu.dma_semaphore, #tpu.memory_space<semaphore_mem>>) src(%dma_wait3A_41 : memref<6272xf32, #tpu.memory_space<hbm>>) dst(%arg5 : memref<6272xf32, #tpu.memory_space<vmem>>)
      tpu.yield
    }) : () -> ()
    %mul3A_9 = arith.constant 20 : i32
    %mul3A_10 = arith.muli %mul3A_2, %mul3A_9 : i32
    %add3A_11 = arith.constant 1705984 : i32
    %add3A_12 = arith.addi %add3A_11, %mul3A_10 : i32
    "tpu.region"() ({
      %run_scoped3A = tpu.sem_alloc : memref<!tpu.dma_semaphore, #tpu.memory_space<semaphore_mem>>
      %dma_start3A = tpu.memref_slice %arg2[%add3A_12] : memref<2759680xf32, #tpu.memory_space<hbm>> -> memref<31360xf32, #tpu.memory_space<hbm>>
      %dma_start3A_40 = tpu.memref_slice %arg2[%add3A_12] : memref<2759680xf32, #tpu.memory_space<hbm>> -> memref<31360xf32, #tpu.memory_space<hbm>>
      tpu.enqueue_dma source(%dma_start3A_40 : memref<31360xf32, #tpu.memory_space<hbm>>) target(%arg6 : memref<31360xf32, #tpu.memory_space<vmem>>) target_semaphore(%run_scoped3A : memref<!tpu.dma_semaphore, #tpu.memory_space<semaphore_mem>>)
      %dma_wait3A = tpu.memref_slice %arg2[%add3A_12] : memref<2759680xf32, #tpu.memory_space<hbm>> -> memref<31360xf32, #tpu.memory_space<hbm>>
      %dma_wait3A_41 = tpu.memref_slice %arg2[%add3A_12] : memref<2759680xf32, #tpu.memory_space<hbm>> -> memref<31360xf32, #tpu.memory_space<hbm>>
      tpu.wait_dma2 semaphore(%run_scoped3A : memref<!tpu.dma_semaphore, #tpu.memory_space<semaphore_mem>>) src(%dma_wait3A_41 : memref<31360xf32, #tpu.memory_space<hbm>>) dst(%arg6 : memref<31360xf32, #tpu.memory_space<vmem>>)
      tpu.yield
    }) : () -> ()
    %add3A_13 = arith.constant 2709504 : i32
    %add3A_14 = arith.addi %add3A_13, %mul3A_2 : i32
    "tpu.region"() ({
      %run_scoped3A = tpu.sem_alloc : memref<!tpu.dma_semaphore, #tpu.memory_space<semaphore_mem>>
      %dma_start3A = tpu.memref_slice %arg2[%add3A_14] : memref<2759680xf32, #tpu.memory_space<hbm>> -> memref<1568xf32, #tpu.memory_space<hbm>>
      %dma_start3A_40 = tpu.memref_slice %arg2[%add3A_14] : memref<2759680xf32, #tpu.memory_space<hbm>> -> memref<1568xf32, #tpu.memory_space<hbm>>
      tpu.enqueue_dma source(%dma_start3A_40 : memref<1568xf32, #tpu.memory_space<hbm>>) target(%arg7 : memref<1568xf32, #tpu.memory_space<vmem>>) target_semaphore(%run_scoped3A : memref<!tpu.dma_semaphore, #tpu.memory_space<semaphore_mem>>)
      %dma_wait3A = tpu.memref_slice %arg2[%add3A_14] : memref<2759680xf32, #tpu.memory_space<hbm>> -> memref<1568xf32, #tpu.memory_space<hbm>>
      %dma_wait3A_41 = tpu.memref_slice %arg2[%add3A_14] : memref<2759680xf32, #tpu.memory_space<hbm>> -> memref<1568xf32, #tpu.memory_space<hbm>>
      tpu.wait_dma2 semaphore(%run_scoped3A : memref<!tpu.dma_semaphore, #tpu.memory_space<semaphore_mem>>) src(%dma_wait3A_41 : memref<1568xf32, #tpu.memory_space<hbm>>) dst(%arg7 : memref<1568xf32, #tpu.memory_space<vmem>>)
      tpu.yield
    }) : () -> ()
    %iota3A = tpu.iota {dimensions = array<i32: 0>} : vector<16xi32>
    %broadcast_in_dim3A = arith.constant 0.000000e+00 : f32
    %broadcast_in_dim3A_15 = vector.broadcast %broadcast_in_dim3A : f32 to vector<16xf32>
    %scan3A = arith.constant 0 : i32
    %scan3A_16 = arith.constant 98 : i32
    %scan3A_17 = arith.addi %scan3A, %scan3A_16 : i32
    %scan3A_18 = arith.constant 1 : i32
    %scan3A_19:5 = scf.for %scan3A_40 = %scan3A to %scan3A_17 step %scan3A_18 iter_args(%scan3A_41 = %broadcast_in_dim3A_15, %scan3A_42 = %broadcast_in_dim3A_15, %scan3A_43 = %broadcast_in_dim3A_15, %scan3A_44 = %broadcast_in_dim3A_15, %scan3A_45 = %broadcast_in_dim3A_15) -> (vector<16xf32>, vector<16xf32>, vector<16xf32>, vector<16xf32>, vector<16xf32>)  : i32 {
      %mul3A_46 = arith.constant 16 : i32
      %mul3A_47 = arith.muli %scan3A_40, %mul3A_46 : i32
      %add3A_48 = vector.broadcast %mul3A_47 : i32 to vector<16xi32>
      %add3A_49 = arith.addi %add3A_48, %iota3A : vector<16xi32>
      %gather3A = tpu.vector_load_idx %arg7[%add3A_49] : memref<1568xf32, #tpu.memory_space<vmem>>[vector<16xi32>], vector<16xf32>,
      %mul3A_50 = arith.constant 30 : i32
      %mul3A_51 = vector.broadcast %mul3A_50 : i32 to vector<16xi32>
      %mul3A_52 = arith.muli %add3A_49, %mul3A_51 : vector<16xi32>
      %add3A_53 = arith.constant 10 : i32
      %add3A_54 = vector.broadcast %add3A_53 : i32 to vector<16xi32>
      %add3A_55 = arith.addi %mul3A_52, %add3A_54 : vector<16xi32>
      %gather3A_56 = tpu.vector_load_idx %arg4[%add3A_55] : memref<47040xf32, #tpu.memory_space<vmem>>[vector<16xi32>], vector<16xf32>,
      %mul3A_57 = arith.constant 30 : i32
      %mul3A_58 = vector.broadcast %mul3A_57 : i32 to vector<16xi32>
      %mul3A_59 = arith.muli %add3A_49, %mul3A_58 : vector<16xi32>
      %add3A_60 = arith.constant 11 : i32
      %add3A_61 = vector.broadcast %add3A_60 : i32 to vector<16xi32>
      %add3A_62 = arith.addi %mul3A_59, %add3A_61 : vector<16xi32>
      %gather3A_63 = tpu.vector_load_idx %arg4[%add3A_62] : memref<47040xf32, #tpu.memory_space<vmem>>[vector<16xi32>], vector<16xf32>,
      %mul3A_64 = arith.constant 30 : i32
      %mul3A_65 = vector.broadcast %mul3A_64 : i32 to vector<16xi32>
      %mul3A_66 = arith.muli %add3A_49, %mul3A_65 : vector<16xi32>
      %add3A_67 = arith.constant 12 : i32
      %add3A_68 = vector.broadcast %add3A_67 : i32 to vector<16xi32>
      %add3A_69 = arith.addi %mul3A_66, %add3A_68 : vector<16xi32>
      %gather3A_70 = tpu.vector_load_idx %arg4[%add3A_69] : memref<47040xf32, #tpu.memory_space<vmem>>[vector<16xi32>], vector<16xf32>,
      %mul3A_71 = arith.constant 30 : i32
      %mul3A_72 = vector.broadcast %mul3A_71 : i32 to vector<16xi32>
      %mul3A_73 = arith.muli %add3A_49, %mul3A_72 : vector<16xi32>
      %add3A_74 = arith.constant 13 : i32
      %add3A_75 = vector.broadcast %add3A_74 : i32 to vector<16xi32>
      %add3A_76 = arith.addi %mul3A_73, %add3A_75 : vector<16xi32>
      %gather3A_77 = tpu.vector_load_idx %arg4[%add3A_76] : memref<47040xf32, #tpu.memory_space<vmem>>[vector<16xi32>], vector<16xf32>,
      %mul3A_78 = arith.constant 30 : i32
      %mul3A_79 = vector.broadcast %mul3A_78 : i32 to vector<16xi32>
      %mul3A_80 = arith.muli %add3A_49, %mul3A_79 : vector<16xi32>
      %add3A_81 = arith.constant 14 : i32
      %add3A_82 = vector.broadcast %add3A_81 : i32 to vector<16xi32>
      %add3A_83 = arith.addi %mul3A_80, %add3A_82 : vector<16xi32>
      %gather3A_84 = tpu.vector_load_idx %arg4[%add3A_83] : memref<47040xf32, #tpu.memory_space<vmem>>[vector<16xi32>], vector<16xf32>,
      %mul3A_85 = arith.constant 30 : i32
      %mul3A_86 = vector.broadcast %mul3A_85 : i32 to vector<16xi32>
      %mul3A_87 = arith.muli %add3A_49, %mul3A_86 : vector<16xi32>
      %add3A_88 = arith.constant 15 : i32
      %add3A_89 = vector.broadcast %add3A_88 : i32 to vector<16xi32>
      %add3A_90 = arith.addi %mul3A_87, %add3A_89 : vector<16xi32>
      %gather3A_91 = tpu.vector_load_idx %arg4[%add3A_90] : memref<47040xf32, #tpu.memory_space<vmem>>[vector<16xi32>], vector<16xf32>,
      %mul3A_92 = arith.constant 30 : i32
      %mul3A_93 = vector.broadcast %mul3A_92 : i32 to vector<16xi32>
      %mul3A_94 = arith.muli %add3A_49, %mul3A_93 : vector<16xi32>
      %add3A_95 = arith.constant 16 : i32
      %add3A_96 = vector.broadcast %add3A_95 : i32 to vector<16xi32>
      %add3A_97 = arith.addi %mul3A_94, %add3A_96 : vector<16xi32>
      %gather3A_98 = tpu.vector_load_idx %arg4[%add3A_97] : memref<47040xf32, #tpu.memory_space<vmem>>[vector<16xi32>], vector<16xf32>,
      %mul3A_99 = arith.constant 30 : i32
      %mul3A_100 = vector.broadcast %mul3A_99 : i32 to vector<16xi32>
      %mul3A_101 = arith.muli %add3A_49, %mul3A_100 : vector<16xi32>
      %add3A_102 = arith.constant 17 : i32
      %add3A_103 = vector.broadcast %add3A_102 : i32 to vector<16xi32>
      %add3A_104 = arith.addi %mul3A_101, %add3A_103 : vector<16xi32>
      %gather3A_105 = tpu.vector_load_idx %arg4[%add3A_104] : memref<47040xf32, #tpu.memory_space<vmem>>[vector<16xi32>], vector<16xf32>,
      %mul3A_106 = arith.constant 30 : i32
      %mul3A_107 = vector.broadcast %mul3A_106 : i32 to vector<16xi32>
      %mul3A_108 = arith.muli %add3A_49, %mul3A_107 : vector<16xi32>
      %add3A_109 = arith.constant 18 : i32
      %add3A_110 = vector.broadcast %add3A_109 : i32 to vector<16xi32>
      %add3A_111 = arith.addi %mul3A_108, %add3A_110 : vector<16xi32>
      %gather3A_112 = tpu.vector_load_idx %arg4[%add3A_111] : memref<47040xf32, #tpu.memory_space<vmem>>[vector<16xi32>], vector<16xf32>,
      %mul3A_113 = arith.constant 30 : i32
      %mul3A_114 = vector.broadcast %mul3A_113 : i32 to vector<16xi32>
      %mul3A_115 = arith.muli %add3A_49, %mul3A_114 : vector<16xi32>
      %add3A_116 = arith.constant 19 : i32
      %add3A_117 = vector.broadcast %add3A_116 : i32 to vector<16xi32>
      %add3A_118 = arith.addi %mul3A_115, %add3A_117 : vector<16xi32>
      %gather3A_119 = tpu.vector_load_idx %arg4[%add3A_118] : memref<47040xf32, #tpu.memory_space<vmem>>[vector<16xi32>], vector<16xf32>,
      %mul3A_120 = arith.constant 30 : i32
      %mul3A_121 = vector.broadcast %mul3A_120 : i32 to vector<16xi32>
      %mul3A_122 = arith.muli %add3A_49, %mul3A_121 : vector<16xi32>
      %add3A_123 = arith.constant 20 : i32
      %add3A_124 = vector.broadcast %add3A_123 : i32 to vector<16xi32>
      %add3A_125 = arith.addi %mul3A_122, %add3A_124 : vector<16xi32>
      %gather3A_126 = tpu.vector_load_idx %arg4[%add3A_125] : memref<47040xf32, #tpu.memory_space<vmem>>[vector<16xi32>], vector<16xf32>,
      %mul3A_127 = arith.constant 30 : i32
      %mul3A_128 = vector.broadcast %mul3A_127 : i32 to vector<16xi32>
      %mul3A_129 = arith.muli %add3A_49, %mul3A_128 : vector<16xi32>
      %add3A_130 = arith.constant 21 : i32
      %add3A_131 = vector.broadcast %add3A_130 : i32 to vector<16xi32>
      %add3A_132 = arith.addi %mul3A_129, %add3A_131 : vector<16xi32>
      %gather3A_133 = tpu.vector_load_idx %arg4[%add3A_132] : memref<47040xf32, #tpu.memory_space<vmem>>[vector<16xi32>], vector<16xf32>,
      %mul3A_134 = arith.constant 30 : i32
      %mul3A_135 = vector.broadcast %mul3A_134 : i32 to vector<16xi32>
      %mul3A_136 = arith.muli %add3A_49, %mul3A_135 : vector<16xi32>
      %add3A_137 = arith.constant 22 : i32
      %add3A_138 = vector.broadcast %add3A_137 : i32 to vector<16xi32>
      %add3A_139 = arith.addi %mul3A_136, %add3A_138 : vector<16xi32>
      %gather3A_140 = tpu.vector_load_idx %arg4[%add3A_139] : memref<47040xf32, #tpu.memory_space<vmem>>[vector<16xi32>], vector<16xf32>,
      %mul3A_141 = arith.constant 30 : i32
      %mul3A_142 = vector.broadcast %mul3A_141 : i32 to vector<16xi32>
      %mul3A_143 = arith.muli %add3A_49, %mul3A_142 : vector<16xi32>
      %add3A_144 = arith.constant 23 : i32
      %add3A_145 = vector.broadcast %add3A_144 : i32 to vector<16xi32>
      %add3A_146 = arith.addi %mul3A_143, %add3A_145 : vector<16xi32>
      %gather3A_147 = tpu.vector_load_idx %arg4[%add3A_146] : memref<47040xf32, #tpu.memory_space<vmem>>[vector<16xi32>], vector<16xf32>,
      %mul3A_148 = arith.constant 30 : i32
      %mul3A_149 = vector.broadcast %mul3A_148 : i32 to vector<16xi32>
      %mul3A_150 = arith.muli %add3A_49, %mul3A_149 : vector<16xi32>
      %add3A_151 = arith.constant 24 : i32
      %add3A_152 = vector.broadcast %add3A_151 : i32 to vector<16xi32>
      %add3A_153 = arith.addi %mul3A_150, %add3A_152 : vector<16xi32>
      %gather3A_154 = tpu.vector_load_idx %arg4[%add3A_153] : memref<47040xf32, #tpu.memory_space<vmem>>[vector<16xi32>], vector<16xf32>,
      %mul3A_155 = arith.constant 30 : i32
      %mul3A_156 = vector.broadcast %mul3A_155 : i32 to vector<16xi32>
      %mul3A_157 = arith.muli %add3A_49, %mul3A_156 : vector<16xi32>
      %add3A_158 = arith.constant 25 : i32
      %add3A_159 = vector.broadcast %add3A_158 : i32 to vector<16xi32>
      %add3A_160 = arith.addi %mul3A_157, %add3A_159 : vector<16xi32>
      %gather3A_161 = tpu.vector_load_idx %arg4[%add3A_160] : memref<47040xf32, #tpu.memory_space<vmem>>[vector<16xi32>], vector<16xf32>,
      %mul3A_162 = arith.constant 30 : i32
      %mul3A_163 = vector.broadcast %mul3A_162 : i32 to vector<16xi32>
      %mul3A_164 = arith.muli %add3A_49, %mul3A_163 : vector<16xi32>
      %add3A_165 = arith.constant 26 : i32
      %add3A_166 = vector.broadcast %add3A_165 : i32 to vector<16xi32>
      %add3A_167 = arith.addi %mul3A_164, %add3A_166 : vector<16xi32>
      %gather3A_168 = tpu.vector_load_idx %arg4[%add3A_167] : memref<47040xf32, #tpu.memory_space<vmem>>[vector<16xi32>], vector<16xf32>,
      %mul3A_169 = arith.constant 30 : i32
      %mul3A_170 = vector.broadcast %mul3A_169 : i32 to vector<16xi32>
      %mul3A_171 = arith.muli %add3A_49, %mul3A_170 : vector<16xi32>
      %add3A_172 = arith.constant 27 : i32
      %add3A_173 = vector.broadcast %add3A_172 : i32 to vector<16xi32>
      %add3A_174 = arith.addi %mul3A_171, %add3A_173 : vector<16xi32>
      %gather3A_175 = tpu.vector_load_idx %arg4[%add3A_174] : memref<47040xf32, #tpu.memory_space<vmem>>[vector<16xi32>], vector<16xf32>,
      %mul3A_176 = arith.constant 30 : i32
      %mul3A_177 = vector.broadcast %mul3A_176 : i32 to vector<16xi32>
      %mul3A_178 = arith.muli %add3A_49, %mul3A_177 : vector<16xi32>
      %add3A_179 = arith.constant 28 : i32
      %add3A_180 = vector.broadcast %add3A_179 : i32 to vector<16xi32>
      %add3A_181 = arith.addi %mul3A_178, %add3A_180 : vector<16xi32>
      %gather3A_182 = tpu.vector_load_idx %arg4[%add3A_181] : memref<47040xf32, #tpu.memory_space<vmem>>[vector<16xi32>], vector<16xf32>,
      %mul3A_183 = arith.constant 30 : i32
      %mul3A_184 = vector.broadcast %mul3A_183 : i32 to vector<16xi32>
      %mul3A_185 = arith.muli %add3A_49, %mul3A_184 : vector<16xi32>
      %add3A_186 = arith.constant 29 : i32
      %add3A_187 = vector.broadcast %add3A_186 : i32 to vector<16xi32>
      %add3A_188 = arith.addi %mul3A_185, %add3A_187 : vector<16xi32>
      %gather3A_189 = tpu.vector_load_idx %arg4[%add3A_188] : memref<47040xf32, #tpu.memory_space<vmem>>[vector<16xi32>], vector<16xf32>,
      %max3A = arith.maximumf %gather3A_56, %gather3A_63 : vector<16xf32>
      %max3A_190 = arith.maximumf %max3A, %gather3A_70 : vector<16xf32>
      %max3A_191 = arith.maximumf %max3A_190, %gather3A_77 : vector<16xf32>
      %max3A_192 = arith.maximumf %max3A_191, %gather3A_84 : vector<16xf32>
      %max3A_193 = arith.maximumf %max3A_192, %gather3A_91 : vector<16xf32>
      %max3A_194 = arith.maximumf %max3A_193, %gather3A_98 : vector<16xf32>
      %max3A_195 = arith.maximumf %max3A_194, %gather3A_105 : vector<16xf32>
      %max3A_196 = arith.maximumf %max3A_195, %gather3A_112 : vector<16xf32>
      %max3A_197 = arith.maximumf %max3A_196, %gather3A_119 : vector<16xf32>
      %max3A_198 = arith.maximumf %max3A_197, %gather3A_126 : vector<16xf32>
      %max3A_199 = arith.maximumf %max3A_198, %gather3A_133 : vector<16xf32>
      %max3A_200 = arith.maximumf %max3A_199, %gather3A_140 : vector<16xf32>
      %max3A_201 = arith.maximumf %max3A_200, %gather3A_147 : vector<16xf32>
      %max3A_202 = arith.maximumf %max3A_201, %gather3A_154 : vector<16xf32>
      %max3A_203 = arith.maximumf %max3A_202, %gather3A_161 : vector<16xf32>
      %max3A_204 = arith.maximumf %max3A_203, %gather3A_168 : vector<16xf32>
      %max3A_205 = arith.maximumf %max3A_204, %gather3A_175 : vector<16xf32>
      %max3A_206 = arith.maximumf %max3A_205, %gather3A_182 : vector<16xf32>
      %max3A_207 = arith.maximumf %max3A_206, %gather3A_189 : vector<16xf32>
      %sub3A = arith.subf %gather3A_56, %max3A_207 : vector<16xf32>
      %exp3A = math.exp %sub3A : vector<16xf32>
      %mul3A_208 = arith.constant 20 : i32
      %mul3A_209 = vector.broadcast %mul3A_208 : i32 to vector<16xi32>
      %mul3A_210 = arith.muli %add3A_49, %mul3A_209 : vector<16xi32>
      %gather3A_211 = tpu.vector_load_idx %arg6[%mul3A_210] : memref<31360xf32, #tpu.memory_space<vmem>>[vector<16xi32>], vector<16xf32>,
      %sub3A_212 = arith.subf %gather3A_63, %max3A_207 : vector<16xf32>
      %exp3A_213 = math.exp %sub3A_212 : vector<16xf32>
      %add3A_214 = arith.addf %exp3A, %exp3A_213 : vector<16xf32>
      %mul3A_215 = arith.constant 20 : i32
      %mul3A_216 = vector.broadcast %mul3A_215 : i32 to vector<16xi32>
      %mul3A_217 = arith.muli %add3A_49, %mul3A_216 : vector<16xi32>
      %add3A_218 = arith.constant 1 : i32
      %add3A_219 = vector.broadcast %add3A_218 : i32 to vector<16xi32>
      %add3A_220 = arith.addi %mul3A_217, %add3A_219 : vector<16xi32>
      %gather3A_221 = tpu.vector_load_idx %arg6[%add3A_220] : memref<31360xf32, #tpu.memory_space<vmem>>[vector<16xi32>], vector<16xf32>,
      %gt3A = arith.cmpf ogt, %gather3A_221, %gather3A_211 : vector<16xf32>
      %select_n3A = arith.select %gt3A, %gather3A_221, %gather3A_211 : vector<16xi1>, vector<16xf32>
      %select_n3A_222 = arith.select %gt3A, %gather3A_63, %gather3A_56 : vector<16xi1>, vector<16xf32>
      %sub3A_223 = arith.subf %gather3A_70, %max3A_207 : vector<16xf32>
      %exp3A_224 = math.exp %sub3A_223 : vector<16xf32>
      %add3A_225 = arith.addf %add3A_214, %exp3A_224 : vector<16xf32>
      %mul3A_226 = arith.constant 20 : i32
      %mul3A_227 = vector.broadcast %mul3A_226 : i32 to vector<16xi32>
      %mul3A_228 = arith.muli %add3A_49, %mul3A_227 : vector<16xi32>
      %add3A_229 = arith.constant 2 : i32
      %add3A_230 = vector.broadcast %add3A_229 : i32 to vector<16xi32>
      %add3A_231 = arith.addi %mul3A_228, %add3A_230 : vector<16xi32>
      %gather3A_232 = tpu.vector_load_idx %arg6[%add3A_231] : memref<31360xf32, #tpu.memory_space<vmem>>[vector<16xi32>], vector<16xf32>,
      %gt3A_233 = arith.cmpf ogt, %gather3A_232, %select_n3A : vector<16xf32>
      %select_n3A_234 = arith.select %gt3A_233, %gather3A_232, %select_n3A : vector<16xi1>, vector<16xf32>
      %select_n3A_235 = arith.select %gt3A_233, %gather3A_70, %select_n3A_222 : vector<16xi1>, vector<16xf32>
      %sub3A_236 = arith.subf %gather3A_77, %max3A_207 : vector<16xf32>
      %exp3A_237 = math.exp %sub3A_236 : vector<16xf32>
      %add3A_238 = arith.addf %add3A_225, %exp3A_237 : vector<16xf32>
      %mul3A_239 = arith.constant 20 : i32
      %mul3A_240 = vector.broadcast %mul3A_239 : i32 to vector<16xi32>
      %mul3A_241 = arith.muli %add3A_49, %mul3A_240 : vector<16xi32>
      %add3A_242 = arith.constant 3 : i32
      %add3A_243 = vector.broadcast %add3A_242 : i32 to vector<16xi32>
      %add3A_244 = arith.addi %mul3A_241, %add3A_243 : vector<16xi32>
      %gather3A_245 = tpu.vector_load_idx %arg6[%add3A_244] : memref<31360xf32, #tpu.memory_space<vmem>>[vector<16xi32>], vector<16xf32>,
      %gt3A_246 = arith.cmpf ogt, %gather3A_245, %select_n3A_234 : vector<16xf32>
      %select_n3A_247 = arith.select %gt3A_246, %gather3A_245, %select_n3A_234 : vector<16xi1>, vector<16xf32>
      %select_n3A_248 = arith.select %gt3A_246, %gather3A_77, %select_n3A_235 : vector<16xi1>, vector<16xf32>
      %sub3A_249 = arith.subf %gather3A_84, %max3A_207 : vector<16xf32>
      %exp3A_250 = math.exp %sub3A_249 : vector<16xf32>
      %add3A_251 = arith.addf %add3A_238, %exp3A_250 : vector<16xf32>
      %mul3A_252 = arith.constant 20 : i32
      %mul3A_253 = vector.broadcast %mul3A_252 : i32 to vector<16xi32>
      %mul3A_254 = arith.muli %add3A_49, %mul3A_253 : vector<16xi32>
      %add3A_255 = arith.constant 4 : i32
      %add3A_256 = vector.broadcast %add3A_255 : i32 to vector<16xi32>
      %add3A_257 = arith.addi %mul3A_254, %add3A_256 : vector<16xi32>
      %gather3A_258 = tpu.vector_load_idx %arg6[%add3A_257] : memref<31360xf32, #tpu.memory_space<vmem>>[vector<16xi32>], vector<16xf32>,
      %gt3A_259 = arith.cmpf ogt, %gather3A_258, %select_n3A_247 : vector<16xf32>
      %select_n3A_260 = arith.select %gt3A_259, %gather3A_258, %select_n3A_247 : vector<16xi1>, vector<16xf32>
      %select_n3A_261 = arith.select %gt3A_259, %gather3A_84, %select_n3A_248 : vector<16xi1>, vector<16xf32>
      %sub3A_262 = arith.subf %gather3A_91, %max3A_207 : vector<16xf32>
      %exp3A_263 = math.exp %sub3A_262 : vector<16xf32>
      %add3A_264 = arith.addf %add3A_251, %exp3A_263 : vector<16xf32>
      %mul3A_265 = arith.constant 20 : i32
      %mul3A_266 = vector.broadcast %mul3A_265 : i32 to vector<16xi32>
      %mul3A_267 = arith.muli %add3A_49, %mul3A_266 : vector<16xi32>
      %add3A_268 = arith.constant 5 : i32
      %add3A_269 = vector.broadcast %add3A_268 : i32 to vector<16xi32>
      %add3A_270 = arith.addi %mul3A_267, %add3A_269 : vector<16xi32>
      %gather3A_271 = tpu.vector_load_idx %arg6[%add3A_270] : memref<31360xf32, #tpu.memory_space<vmem>>[vector<16xi32>], vector<16xf32>,
      %gt3A_272 = arith.cmpf ogt, %gather3A_271, %select_n3A_260 : vector<16xf32>
      %select_n3A_273 = arith.select %gt3A_272, %gather3A_271, %select_n3A_260 : vector<16xi1>, vector<16xf32>
      %select_n3A_274 = arith.select %gt3A_272, %gather3A_91, %select_n3A_261 : vector<16xi1>, vector<16xf32>
      %sub3A_275 = arith.subf %gather3A_98, %max3A_207 : vector<16xf32>
      %exp3A_276 = math.exp %sub3A_275 : vector<16xf32>
      %add3A_277 = arith.addf %add3A_264, %exp3A_276 : vector<16xf32>
      %mul3A_278 = arith.constant 20 : i32
      %mul3A_279 = vector.broadcast %mul3A_278 : i32 to vector<16xi32>
      %mul3A_280 = arith.muli %add3A_49, %mul3A_279 : vector<16xi32>
      %add3A_281 = arith.constant 6 : i32
      %add3A_282 = vector.broadcast %add3A_281 : i32 to vector<16xi32>
      %add3A_283 = arith.addi %mul3A_280, %add3A_282 : vector<16xi32>
      %gather3A_284 = tpu.vector_load_idx %arg6[%add3A_283] : memref<31360xf32, #tpu.memory_space<vmem>>[vector<16xi32>], vector<16xf32>,
      %gt3A_285 = arith.cmpf ogt, %gather3A_284, %select_n3A_273 : vector<16xf32>
      %select_n3A_286 = arith.select %gt3A_285, %gather3A_284, %select_n3A_273 : vector<16xi1>, vector<16xf32>
      %select_n3A_287 = arith.select %gt3A_285, %gather3A_98, %select_n3A_274 : vector<16xi1>, vector<16xf32>
      %sub3A_288 = arith.subf %gather3A_105, %max3A_207 : vector<16xf32>
      %exp3A_289 = math.exp %sub3A_288 : vector<16xf32>
      %add3A_290 = arith.addf %add3A_277, %exp3A_289 : vector<16xf32>
      %mul3A_291 = arith.constant 20 : i32
      %mul3A_292 = vector.broadcast %mul3A_291 : i32 to vector<16xi32>
      %mul3A_293 = arith.muli %add3A_49, %mul3A_292 : vector<16xi32>
      %add3A_294 = arith.constant 7 : i32
      %add3A_295 = vector.broadcast %add3A_294 : i32 to vector<16xi32>
      %add3A_296 = arith.addi %mul3A_293, %add3A_295 : vector<16xi32>
      %gather3A_297 = tpu.vector_load_idx %arg6[%add3A_296] : memref<31360xf32, #tpu.memory_space<vmem>>[vector<16xi32>], vector<16xf32>,
      %gt3A_298 = arith.cmpf ogt, %gather3A_297, %select_n3A_286 : vector<16xf32>
      %select_n3A_299 = arith.select %gt3A_298, %gather3A_297, %select_n3A_286 : vector<16xi1>, vector<16xf32>
      %select_n3A_300 = arith.select %gt3A_298, %gather3A_105, %select_n3A_287 : vector<16xi1>, vector<16xf32>
      %sub3A_301 = arith.subf %gather3A_112, %max3A_207 : vector<16xf32>
      %exp3A_302 = math.exp %sub3A_301 : vector<16xf32>
      %add3A_303 = arith.addf %add3A_290, %exp3A_302 : vector<16xf32>
      %mul3A_304 = arith.constant 20 : i32
      %mul3A_305 = vector.broadcast %mul3A_304 : i32 to vector<16xi32>
      %mul3A_306 = arith.muli %add3A_49, %mul3A_305 : vector<16xi32>
      %add3A_307 = arith.constant 8 : i32
      %add3A_308 = vector.broadcast %add3A_307 : i32 to vector<16xi32>
      %add3A_309 = arith.addi %mul3A_306, %add3A_308 : vector<16xi32>
      %gather3A_310 = tpu.vector_load_idx %arg6[%add3A_309] : memref<31360xf32, #tpu.memory_space<vmem>>[vector<16xi32>], vector<16xf32>,
      %gt3A_311 = arith.cmpf ogt, %gather3A_310, %select_n3A_299 : vector<16xf32>
      %select_n3A_312 = arith.select %gt3A_311, %gather3A_310, %select_n3A_299 : vector<16xi1>, vector<16xf32>
      %select_n3A_313 = arith.select %gt3A_311, %gather3A_112, %select_n3A_300 : vector<16xi1>, vector<16xf32>
      %sub3A_314 = arith.subf %gather3A_119, %max3A_207 : vector<16xf32>
      %exp3A_315 = math.exp %sub3A_314 : vector<16xf32>
      %add3A_316 = arith.addf %add3A_303, %exp3A_315 : vector<16xf32>
      %mul3A_317 = arith.constant 20 : i32
      %mul3A_318 = vector.broadcast %mul3A_317 : i32 to vector<16xi32>
      %mul3A_319 = arith.muli %add3A_49, %mul3A_318 : vector<16xi32>
      %add3A_320 = arith.constant 9 : i32
      %add3A_321 = vector.broadcast %add3A_320 : i32 to vector<16xi32>
      %add3A_322 = arith.addi %mul3A_319, %add3A_321 : vector<16xi32>
      %gather3A_323 = tpu.vector_load_idx %arg6[%add3A_322] : memref<31360xf32, #tpu.memory_space<vmem>>[vector<16xi32>], vector<16xf32>,
      %gt3A_324 = arith.cmpf ogt, %gather3A_323, %select_n3A_312 : vector<16xf32>
      %select_n3A_325 = arith.select %gt3A_324, %gather3A_323, %select_n3A_312 : vector<16xi1>, vector<16xf32>
      %select_n3A_326 = arith.select %gt3A_324, %gather3A_119, %select_n3A_313 : vector<16xi1>, vector<16xf32>
      %sub3A_327 = arith.subf %gather3A_126, %max3A_207 : vector<16xf32>
      %exp3A_328 = math.exp %sub3A_327 : vector<16xf32>
      %add3A_329 = arith.addf %add3A_316, %exp3A_328 : vector<16xf32>
      %mul3A_330 = arith.constant 20 : i32
      %mul3A_331 = vector.broadcast %mul3A_330 : i32 to vector<16xi32>
      %mul3A_332 = arith.muli %add3A_49, %mul3A_331 : vector<16xi32>
      %add3A_333 = arith.constant 10 : i32
      %add3A_334 = vector.broadcast %add3A_333 : i32 to vector<16xi32>
      %add3A_335 = arith.addi %mul3A_332, %add3A_334 : vector<16xi32>
      %gather3A_336 = tpu.vector_load_idx %arg6[%add3A_335] : memref<31360xf32, #tpu.memory_space<vmem>>[vector<16xi32>], vector<16xf32>,
      %gt3A_337 = arith.cmpf ogt, %gather3A_336, %select_n3A_325 : vector<16xf32>
      %select_n3A_338 = arith.select %gt3A_337, %gather3A_336, %select_n3A_325 : vector<16xi1>, vector<16xf32>
      %select_n3A_339 = arith.select %gt3A_337, %gather3A_126, %select_n3A_326 : vector<16xi1>, vector<16xf32>
      %sub3A_340 = arith.subf %gather3A_133, %max3A_207 : vector<16xf32>
      %exp3A_341 = math.exp %sub3A_340 : vector<16xf32>
      %add3A_342 = arith.addf %add3A_329, %exp3A_341 : vector<16xf32>
      %mul3A_343 = arith.constant 20 : i32
      %mul3A_344 = vector.broadcast %mul3A_343 : i32 to vector<16xi32>
      %mul3A_345 = arith.muli %add3A_49, %mul3A_344 : vector<16xi32>
      %add3A_346 = arith.constant 11 : i32
      %add3A_347 = vector.broadcast %add3A_346 : i32 to vector<16xi32>
      %add3A_348 = arith.addi %mul3A_345, %add3A_347 : vector<16xi32>
      %gather3A_349 = tpu.vector_load_idx %arg6[%add3A_348] : memref<31360xf32, #tpu.memory_space<vmem>>[vector<16xi32>], vector<16xf32>,
      %gt3A_350 = arith.cmpf ogt, %gather3A_349, %select_n3A_338 : vector<16xf32>
      %select_n3A_351 = arith.select %gt3A_350, %gather3A_349, %select_n3A_338 : vector<16xi1>, vector<16xf32>
      %select_n3A_352 = arith.select %gt3A_350, %gather3A_133, %select_n3A_339 : vector<16xi1>, vector<16xf32>
      %sub3A_353 = arith.subf %gather3A_140, %max3A_207 : vector<16xf32>
      %exp3A_354 = math.exp %sub3A_353 : vector<16xf32>
      %add3A_355 = arith.addf %add3A_342, %exp3A_354 : vector<16xf32>
      %mul3A_356 = arith.constant 20 : i32
      %mul3A_357 = vector.broadcast %mul3A_356 : i32 to vector<16xi32>
      %mul3A_358 = arith.muli %add3A_49, %mul3A_357 : vector<16xi32>
      %add3A_359 = arith.constant 12 : i32
      %add3A_360 = vector.broadcast %add3A_359 : i32 to vector<16xi32>
      %add3A_361 = arith.addi %mul3A_358, %add3A_360 : vector<16xi32>
      %gather3A_362 = tpu.vector_load_idx %arg6[%add3A_361] : memref<31360xf32, #tpu.memory_space<vmem>>[vector<16xi32>], vector<16xf32>,
      %gt3A_363 = arith.cmpf ogt, %gather3A_362, %select_n3A_351 : vector<16xf32>
      %select_n3A_364 = arith.select %gt3A_363, %gather3A_362, %select_n3A_351 : vector<16xi1>, vector<16xf32>
      %select_n3A_365 = arith.select %gt3A_363, %gather3A_140, %select_n3A_352 : vector<16xi1>, vector<16xf32>
      %sub3A_366 = arith.subf %gather3A_147, %max3A_207 : vector<16xf32>
      %exp3A_367 = math.exp %sub3A_366 : vector<16xf32>
      %add3A_368 = arith.addf %add3A_355, %exp3A_367 : vector<16xf32>
      %mul3A_369 = arith.constant 20 : i32
      %mul3A_370 = vector.broadcast %mul3A_369 : i32 to vector<16xi32>
      %mul3A_371 = arith.muli %add3A_49, %mul3A_370 : vector<16xi32>
      %add3A_372 = arith.constant 13 : i32
      %add3A_373 = vector.broadcast %add3A_372 : i32 to vector<16xi32>
      %add3A_374 = arith.addi %mul3A_371, %add3A_373 : vector<16xi32>
      %gather3A_375 = tpu.vector_load_idx %arg6[%add3A_374] : memref<31360xf32, #tpu.memory_space<vmem>>[vector<16xi32>], vector<16xf32>,
      %gt3A_376 = arith.cmpf ogt, %gather3A_375, %select_n3A_364 : vector<16xf32>
      %select_n3A_377 = arith.select %gt3A_376, %gather3A_375, %select_n3A_364 : vector<16xi1>, vector<16xf32>
      %select_n3A_378 = arith.select %gt3A_376, %gather3A_147, %select_n3A_365 : vector<16xi1>, vector<16xf32>
      %sub3A_379 = arith.subf %gather3A_154, %max3A_207 : vector<16xf32>
      %exp3A_380 = math.exp %sub3A_379 : vector<16xf32>
      %add3A_381 = arith.addf %add3A_368, %exp3A_380 : vector<16xf32>
      %mul3A_382 = arith.constant 20 : i32
      %mul3A_383 = vector.broadcast %mul3A_382 : i32 to vector<16xi32>
      %mul3A_384 = arith.muli %add3A_49, %mul3A_383 : vector<16xi32>
      %add3A_385 = arith.constant 14 : i32
      %add3A_386 = vector.broadcast %add3A_385 : i32 to vector<16xi32>
      %add3A_387 = arith.addi %mul3A_384, %add3A_386 : vector<16xi32>
      %gather3A_388 = tpu.vector_load_idx %arg6[%add3A_387] : memref<31360xf32, #tpu.memory_space<vmem>>[vector<16xi32>], vector<16xf32>,
      %gt3A_389 = arith.cmpf ogt, %gather3A_388, %select_n3A_377 : vector<16xf32>
      %select_n3A_390 = arith.select %gt3A_389, %gather3A_388, %select_n3A_377 : vector<16xi1>, vector<16xf32>
      %select_n3A_391 = arith.select %gt3A_389, %gather3A_154, %select_n3A_378 : vector<16xi1>, vector<16xf32>
      %sub3A_392 = arith.subf %gather3A_161, %max3A_207 : vector<16xf32>
      %exp3A_393 = math.exp %sub3A_392 : vector<16xf32>
      %add3A_394 = arith.addf %add3A_381, %exp3A_393 : vector<16xf32>
      %mul3A_395 = arith.constant 20 : i32
      %mul3A_396 = vector.broadcast %mul3A_395 : i32 to vector<16xi32>
      %mul3A_397 = arith.muli %add3A_49, %mul3A_396 : vector<16xi32>
      %add3A_398 = arith.constant 15 : i32
      %add3A_399 = vector.broadcast %add3A_398 : i32 to vector<16xi32>
      %add3A_400 = arith.addi %mul3A_397, %add3A_399 : vector<16xi32>
      %gather3A_401 = tpu.vector_load_idx %arg6[%add3A_400] : memref<31360xf32, #tpu.memory_space<vmem>>[vector<16xi32>], vector<16xf32>,
      %gt3A_402 = arith.cmpf ogt, %gather3A_401, %select_n3A_390 : vector<16xf32>
      %select_n3A_403 = arith.select %gt3A_402, %gather3A_401, %select_n3A_390 : vector<16xi1>, vector<16xf32>
      %select_n3A_404 = arith.select %gt3A_402, %gather3A_161, %select_n3A_391 : vector<16xi1>, vector<16xf32>
      %sub3A_405 = arith.subf %gather3A_168, %max3A_207 : vector<16xf32>
      %exp3A_406 = math.exp %sub3A_405 : vector<16xf32>
      %add3A_407 = arith.addf %add3A_394, %exp3A_406 : vector<16xf32>
      %mul3A_408 = arith.constant 20 : i32
      %mul3A_409 = vector.broadcast %mul3A_408 : i32 to vector<16xi32>
      %mul3A_410 = arith.muli %add3A_49, %mul3A_409 : vector<16xi32>
      %add3A_411 = arith.constant 16 : i32
      %add3A_412 = vector.broadcast %add3A_411 : i32 to vector<16xi32>
      %add3A_413 = arith.addi %mul3A_410, %add3A_412 : vector<16xi32>
      %gather3A_414 = tpu.vector_load_idx %arg6[%add3A_413] : memref<31360xf32, #tpu.memory_space<vmem>>[vector<16xi32>], vector<16xf32>,
      %gt3A_415 = arith.cmpf ogt, %gather3A_414, %select_n3A_403 : vector<16xf32>
      %select_n3A_416 = arith.select %gt3A_415, %gather3A_414, %select_n3A_403 : vector<16xi1>, vector<16xf32>
      %select_n3A_417 = arith.select %gt3A_415, %gather3A_168, %select_n3A_404 : vector<16xi1>, vector<16xf32>
      %sub3A_418 = arith.subf %gather3A_175, %max3A_207 : vector<16xf32>
      %exp3A_419 = math.exp %sub3A_418 : vector<16xf32>
      %add3A_420 = arith.addf %add3A_407, %exp3A_419 : vector<16xf32>
      %mul3A_421 = arith.constant 20 : i32
      %mul3A_422 = vector.broadcast %mul3A_421 : i32 to vector<16xi32>
      %mul3A_423 = arith.muli %add3A_49, %mul3A_422 : vector<16xi32>
      %add3A_424 = arith.constant 17 : i32
      %add3A_425 = vector.broadcast %add3A_424 : i32 to vector<16xi32>
      %add3A_426 = arith.addi %mul3A_423, %add3A_425 : vector<16xi32>
      %gather3A_427 = tpu.vector_load_idx %arg6[%add3A_426] : memref<31360xf32, #tpu.memory_space<vmem>>[vector<16xi32>], vector<16xf32>,
      %gt3A_428 = arith.cmpf ogt, %gather3A_427, %select_n3A_416 : vector<16xf32>
      %select_n3A_429 = arith.select %gt3A_428, %gather3A_427, %select_n3A_416 : vector<16xi1>, vector<16xf32>
      %select_n3A_430 = arith.select %gt3A_428, %gather3A_175, %select_n3A_417 : vector<16xi1>, vector<16xf32>
      %sub3A_431 = arith.subf %gather3A_182, %max3A_207 : vector<16xf32>
      %exp3A_432 = math.exp %sub3A_431 : vector<16xf32>
      %add3A_433 = arith.addf %add3A_420, %exp3A_432 : vector<16xf32>
      %mul3A_434 = arith.constant 20 : i32
      %mul3A_435 = vector.broadcast %mul3A_434 : i32 to vector<16xi32>
      %mul3A_436 = arith.muli %add3A_49, %mul3A_435 : vector<16xi32>
      %add3A_437 = arith.constant 18 : i32
      %add3A_438 = vector.broadcast %add3A_437 : i32 to vector<16xi32>
      %add3A_439 = arith.addi %mul3A_436, %add3A_438 : vector<16xi32>
      %gather3A_440 = tpu.vector_load_idx %arg6[%add3A_439] : memref<31360xf32, #tpu.memory_space<vmem>>[vector<16xi32>], vector<16xf32>,
      %gt3A_441 = arith.cmpf ogt, %gather3A_440, %select_n3A_429 : vector<16xf32>
      %select_n3A_442 = arith.select %gt3A_441, %gather3A_440, %select_n3A_429 : vector<16xi1>, vector<16xf32>
      %select_n3A_443 = arith.select %gt3A_441, %gather3A_182, %select_n3A_430 : vector<16xi1>, vector<16xf32>
      %sub3A_444 = arith.subf %gather3A_189, %max3A_207 : vector<16xf32>
      %exp3A_445 = math.exp %sub3A_444 : vector<16xf32>
      %add3A_446 = arith.addf %add3A_433, %exp3A_445 : vector<16xf32>
      %mul3A_447 = arith.constant 20 : i32
      %mul3A_448 = vector.broadcast %mul3A_447 : i32 to vector<16xi32>
      %mul3A_449 = arith.muli %add3A_49, %mul3A_448 : vector<16xi32>
      %add3A_450 = arith.constant 19 : i32
      %add3A_451 = vector.broadcast %add3A_450 : i32 to vector<16xi32>
      %add3A_452 = arith.addi %mul3A_449, %add3A_451 : vector<16xi32>
      %gather3A_453 = tpu.vector_load_idx %arg6[%add3A_452] : memref<31360xf32, #tpu.memory_space<vmem>>[vector<16xi32>], vector<16xf32>,
      %gt3A_454 = arith.cmpf ogt, %gather3A_453, %select_n3A_442 : vector<16xf32>
      %select_n3A_455 = arith.select %gt3A_454, %gather3A_453, %select_n3A_442 : vector<16xi1>, vector<16xf32>
      %select_n3A_456 = arith.select %gt3A_454, %gather3A_189, %select_n3A_443 : vector<16xi1>, vector<16xf32>
      %bitcast3A = vector.bitcast %add3A_446 : vector<16xf32> to vector<16xi32>
      %shift_right_arithmetic3A = arith.constant 23 : i32
      %shift_right_arithmetic3A_457 = vector.broadcast %shift_right_arithmetic3A : i32 to vector<16xi32>
      %shift_right_arithmetic3A_458 = arith.shrsi %bitcast3A, %shift_right_arithmetic3A_457 : vector<16xi32>
      %sub3A_459 = arith.constant 127 : i32
      %sub3A_460 = vector.broadcast %sub3A_459 : i32 to vector<16xi32>
      %sub3A_461 = arith.subi %shift_right_arithmetic3A_458, %sub3A_460 : vector<16xi32>
      %convert_element_type3A = arith.sitofp %sub3A_461 : vector<16xi32> to vector<16xf32>
      %and3A = arith.constant 8388607 : i32
      %and3A_462 = vector.broadcast %and3A : i32 to vector<16xi32>
      %and3A_463 = arith.andi %bitcast3A, %and3A_462 : vector<16xi32>
      %or3A = arith.constant 1065353216 : i32
      %or3A_464 = vector.broadcast %or3A : i32 to vector<16xi32>
      %or3A_465 = arith.ori %and3A_463, %or3A_464 : vector<16xi32>
      %bitcast3A_466 = vector.bitcast %or3A_465 : vector<16xi32> to vector<16xf32>
      %sub3A_467 = arith.constant 1.000000e+00 : f32
      %sub3A_468 = vector.broadcast %sub3A_467 : f32 to vector<16xf32>
      %sub3A_469 = arith.subf %bitcast3A_466, %sub3A_468 : vector<16xf32>
      %add3A_470 = arith.constant 1.000000e+00 : f32
      %add3A_471 = vector.broadcast %add3A_470 : f32 to vector<16xf32>
      %add3A_472 = arith.addf %bitcast3A_466, %add3A_471 : vector<16xf32>
      %div3A = arith.divf %sub3A_469, %add3A_472 : vector<16xf32>
      %mul3A_473 = arith.mulf %div3A, %div3A : vector<16xf32>
      %mul3A_474 = arith.constant 2.000000e+00 : f32
      %mul3A_475 = vector.broadcast %mul3A_474 : f32 to vector<16xf32>
      %mul3A_476 = arith.mulf %mul3A_475, %div3A : vector<16xf32>
      %mul3A_477 = arith.constant 0.142857149 : f32
      %mul3A_478 = vector.broadcast %mul3A_477 : f32 to vector<16xf32>
      %mul3A_479 = arith.mulf %mul3A_473, %mul3A_478 : vector<16xf32>
      %add3A_480 = arith.constant 2.000000e-01 : f32
      %add3A_481 = vector.broadcast %add3A_480 : f32 to vector<16xf32>
      %add3A_482 = arith.addf %add3A_481, %mul3A_479 : vector<16xf32>
      %mul3A_483 = arith.mulf %mul3A_473, %add3A_482 : vector<16xf32>
      %add3A_484 = arith.constant 0.333333343 : f32
      %add3A_485 = vector.broadcast %add3A_484 : f32 to vector<16xf32>
      %add3A_486 = arith.addf %add3A_485, %mul3A_483 : vector<16xf32>
      %mul3A_487 = arith.mulf %mul3A_473, %add3A_486 : vector<16xf32>
      %add3A_488 = arith.constant 1.000000e+00 : f32
      %add3A_489 = vector.broadcast %add3A_488 : f32 to vector<16xf32>
      %add3A_490 = arith.addf %add3A_489, %mul3A_487 : vector<16xf32>
      %mul3A_491 = arith.mulf %mul3A_476, %add3A_490 : vector<16xf32>
      %mul3A_492 = arith.constant 0.693147182 : f32
      %mul3A_493 = vector.broadcast %mul3A_492 : f32 to vector<16xf32>
      %mul3A_494 = arith.mulf %convert_element_type3A, %mul3A_493 : vector<16xf32>
      %add3A_495 = arith.addf %mul3A_494, %mul3A_491 : vector<16xf32>
      %add3A_496 = arith.addf %max3A_207, %add3A_495 : vector<16xf32>
      %sub3A_497 = arith.subf %add3A_496, %select_n3A_456 : vector<16xf32>
      %mul3A_498 = arith.constant 4 : i32
      %mul3A_499 = vector.broadcast %mul3A_498 : i32 to vector<16xi32>
      %mul3A_500 = arith.muli %add3A_49, %mul3A_499 : vector<16xi32>
      %gather3A_501 = tpu.vector_load_idx %arg5[%mul3A_500] : memref<6272xf32, #tpu.memory_space<vmem>>[vector<16xi32>], vector<16xf32>,
      %mul3A_502 = arith.constant 4 : i32
      %mul3A_503 = vector.broadcast %mul3A_502 : i32 to vector<16xi32>
      %mul3A_504 = arith.muli %add3A_49, %mul3A_503 : vector<16xi32>
      %add3A_505 = arith.constant 1 : i32
      %add3A_506 = vector.broadcast %add3A_505 : i32 to vector<16xi32>
      %add3A_507 = arith.addi %mul3A_504, %add3A_506 : vector<16xi32>
      %gather3A_508 = tpu.vector_load_idx %arg5[%add3A_507] : memref<6272xf32, #tpu.memory_space<vmem>>[vector<16xi32>], vector<16xf32>,
      %mul3A_509 = arith.constant 4 : i32
      %mul3A_510 = vector.broadcast %mul3A_509 : i32 to vector<16xi32>
      %mul3A_511 = arith.muli %add3A_49, %mul3A_510 : vector<16xi32>
      %add3A_512 = arith.constant 2 : i32
      %add3A_513 = vector.broadcast %add3A_512 : i32 to vector<16xi32>
      %add3A_514 = arith.addi %mul3A_511, %add3A_513 : vector<16xi32>
      %gather3A_515 = tpu.vector_load_idx %arg5[%add3A_514] : memref<6272xf32, #tpu.memory_space<vmem>>[vector<16xi32>], vector<16xf32>,
      %mul3A_516 = arith.constant 4 : i32
      %mul3A_517 = vector.broadcast %mul3A_516 : i32 to vector<16xi32>
      %mul3A_518 = arith.muli %add3A_49, %mul3A_517 : vector<16xi32>
      %add3A_519 = arith.constant 3 : i32
      %add3A_520 = vector.broadcast %add3A_519 : i32 to vector<16xi32>
      %add3A_521 = arith.addi %mul3A_518, %add3A_520 : vector<16xi32>
      %gather3A_522 = tpu.vector_load_idx %arg5[%add3A_521] : memref<6272xf32, #tpu.memory_space<vmem>>[vector<16xi32>], vector<16xf32>,
      %mul3A_523 = arith.constant 0.0714285746 : f32
      %mul3A_524 = vector.broadcast %mul3A_523 : f32 to vector<16xf32>
      %mul3A_525 = arith.mulf %gather3A_501, %mul3A_524 : vector<16xf32>
      %mul3A_526 = arith.constant 5.000000e-01 : f32
      %mul3A_527 = vector.broadcast %mul3A_526 : f32 to vector<16xf32>
      %mul3A_528 = arith.mulf %mul3A_527, %gather3A_515 : vector<16xf32>
      %sub3A_529 = arith.subf %mul3A_525, %mul3A_528 : vector<16xf32>
      %mul3A_530 = arith.constant 0.0714285746 : f32
      %mul3A_531 = vector.broadcast %mul3A_530 : f32 to vector<16xf32>
      %mul3A_532 = arith.mulf %gather3A_508, %mul3A_531 : vector<16xf32>
      %mul3A_533 = arith.constant 5.000000e-01 : f32
      %mul3A_534 = vector.broadcast %mul3A_533 : f32 to vector<16xf32>
      %mul3A_535 = arith.mulf %mul3A_534, %gather3A_522 : vector<16xf32>
      %sub3A_536 = arith.subf %mul3A_532, %mul3A_535 : vector<16xf32>
      %mul3A_537 = arith.constant 0.0714285746 : f32
      %mul3A_538 = vector.broadcast %mul3A_537 : f32 to vector<16xf32>
      %mul3A_539 = arith.mulf %gather3A_501, %mul3A_538 : vector<16xf32>
      %mul3A_540 = arith.constant 5.000000e-01 : f32
      %mul3A_541 = vector.broadcast %mul3A_540 : f32 to vector<16xf32>
      %mul3A_542 = arith.mulf %mul3A_541, %gather3A_515 : vector<16xf32>
      %add3A_543 = arith.addf %mul3A_539, %mul3A_542 : vector<16xf32>
      %mul3A_544 = arith.constant 0.0714285746 : f32
      %mul3A_545 = vector.broadcast %mul3A_544 : f32 to vector<16xf32>
      %mul3A_546 = arith.mulf %gather3A_508, %mul3A_545 : vector<16xf32>
      %mul3A_547 = arith.constant 5.000000e-01 : f32
      %mul3A_548 = vector.broadcast %mul3A_547 : f32 to vector<16xf32>
      %mul3A_549 = arith.mulf %mul3A_548, %gather3A_522 : vector<16xf32>
      %add3A_550 = arith.addf %mul3A_546, %mul3A_549 : vector<16xf32>
      %sub3A_551 = arith.subf %add3A_543, %sub3A_529 : vector<16xf32>
      %sub3A_552 = arith.subf %add3A_550, %sub3A_536 : vector<16xf32>
      %mul3A_553 = arith.mulf %sub3A_551, %sub3A_552 : vector<16xf32>
      %mul3A_554 = arith.constant 30 : i32
      %mul3A_555 = vector.broadcast %mul3A_554 : i32 to vector<16xi32>
      %mul3A_556 = arith.muli %add3A_49, %mul3A_555 : vector<16xi32>
      %add3A_557 = arith.constant 0 : i32
      %add3A_558 = vector.broadcast %add3A_557 : i32 to vector<16xi32>
      %add3A_559 = arith.addi %mul3A_556, %add3A_558 : vector<16xi32>
      %gather3A_560 = tpu.vector_load_idx %arg4[%add3A_559] : memref<47040xf32, #tpu.memory_space<vmem>>[vector<16xi32>], vector<16xf32>,
      %mul3A_561 = arith.constant 30 : i32
      %mul3A_562 = vector.broadcast %mul3A_561 : i32 to vector<16xi32>
      %mul3A_563 = arith.muli %add3A_49, %mul3A_562 : vector<16xi32>
      %add3A_564 = arith.constant 1 : i32
      %add3A_565 = vector.broadcast %add3A_564 : i32 to vector<16xi32>
      %add3A_566 = arith.addi %mul3A_563, %add3A_565 : vector<16xi32>
      %gather3A_567 = tpu.vector_load_idx %arg4[%add3A_566] : memref<47040xf32, #tpu.memory_space<vmem>>[vector<16xi32>], vector<16xf32>,
      %mul3A_568 = arith.constant 30 : i32
      %mul3A_569 = vector.broadcast %mul3A_568 : i32 to vector<16xi32>
      %mul3A_570 = arith.muli %add3A_49, %mul3A_569 : vector<16xi32>
      %add3A_571 = arith.constant 2 : i32
      %add3A_572 = vector.broadcast %add3A_571 : i32 to vector<16xi32>
      %add3A_573 = arith.addi %mul3A_570, %add3A_572 : vector<16xi32>
      %gather3A_574 = tpu.vector_load_idx %arg4[%add3A_573] : memref<47040xf32, #tpu.memory_space<vmem>>[vector<16xi32>], vector<16xf32>,
      %mul3A_575 = arith.constant 30 : i32
      %mul3A_576 = vector.broadcast %mul3A_575 : i32 to vector<16xi32>
      %mul3A_577 = arith.muli %add3A_49, %mul3A_576 : vector<16xi32>
      %add3A_578 = arith.constant 3 : i32
      %add3A_579 = vector.broadcast %add3A_578 : i32 to vector<16xi32>
      %add3A_580 = arith.addi %mul3A_577, %add3A_579 : vector<16xi32>
      %gather3A_581 = tpu.vector_load_idx %arg4[%add3A_580] : memref<47040xf32, #tpu.memory_space<vmem>>[vector<16xi32>], vector<16xf32>,
      %mul3A_582 = arith.constant 0.0714285746 : f32
      %mul3A_583 = vector.broadcast %mul3A_582 : f32 to vector<16xf32>
      %mul3A_584 = arith.mulf %gather3A_560, %mul3A_583 : vector<16xf32>
      %mul3A_585 = arith.constant 5.000000e-01 : f32
      %mul3A_586 = vector.broadcast %mul3A_585 : f32 to vector<16xf32>
      %mul3A_587 = arith.mulf %mul3A_586, %gather3A_574 : vector<16xf32>
      %sub3A_588 = arith.subf %mul3A_584, %mul3A_587 : vector<16xf32>
      %mul3A_589 = arith.constant 0.0714285746 : f32
      %mul3A_590 = vector.broadcast %mul3A_589 : f32 to vector<16xf32>
      %mul3A_591 = arith.mulf %gather3A_567, %mul3A_590 : vector<16xf32>
      %mul3A_592 = arith.constant 5.000000e-01 : f32
      %mul3A_593 = vector.broadcast %mul3A_592 : f32 to vector<16xf32>
      %mul3A_594 = arith.mulf %mul3A_593, %gather3A_581 : vector<16xf32>
      %sub3A_595 = arith.subf %mul3A_591, %mul3A_594 : vector<16xf32>
      %mul3A_596 = arith.constant 0.0714285746 : f32
      %mul3A_597 = vector.broadcast %mul3A_596 : f32 to vector<16xf32>
      %mul3A_598 = arith.mulf %gather3A_560, %mul3A_597 : vector<16xf32>
      %mul3A_599 = arith.constant 5.000000e-01 : f32
      %mul3A_600 = vector.broadcast %mul3A_599 : f32 to vector<16xf32>
      %mul3A_601 = arith.mulf %mul3A_600, %gather3A_574 : vector<16xf32>
      %add3A_602 = arith.addf %mul3A_598, %mul3A_601 : vector<16xf32>
      %mul3A_603 = arith.constant 0.0714285746 : f32
      %mul3A_604 = vector.broadcast %mul3A_603 : f32 to vector<16xf32>
      %mul3A_605 = arith.mulf %gather3A_567, %mul3A_604 : vector<16xf32>
      %mul3A_606 = arith.constant 5.000000e-01 : f32
      %mul3A_607 = vector.broadcast %mul3A_606 : f32 to vector<16xf32>
      %mul3A_608 = arith.mulf %mul3A_607, %gather3A_581 : vector<16xf32>
      %add3A_609 = arith.addf %mul3A_605, %mul3A_608 : vector<16xf32>
      %min3A = arith.minimumf %add3A_602, %add3A_543 : vector<16xf32>
      %max3A_610 = arith.maximumf %sub3A_588, %sub3A_529 : vector<16xf32>
      %sub3A_611 = arith.subf %min3A, %max3A_610 : vector<16xf32>
      %max3A_612 = arith.constant 0.000000e+00 : f32
      %max3A_613 = vector.broadcast %max3A_612 : f32 to vector<16xf32>
      %max3A_614 = arith.maximumf %sub3A_611, %max3A_613 : vector<16xf32>
      %min3A_615 = arith.minimumf %add3A_609, %add3A_550 : vector<16xf32>
      %max3A_616 = arith.maximumf %sub3A_595, %sub3A_536 : vector<16xf32>
      %sub3A_617 = arith.subf %min3A_615, %max3A_616 : vector<16xf32>
      %max3A_618 = arith.constant 0.000000e+00 : f32
      %max3A_619 = vector.broadcast %max3A_618 : f32 to vector<16xf32>
      %max3A_620 = arith.maximumf %sub3A_617, %max3A_619 : vector<16xf32>
      %mul3A_621 = arith.mulf %max3A_614, %max3A_620 : vector<16xf32>
      %sub3A_622 = arith.subf %add3A_602, %sub3A_588 : vector<16xf32>
      %sub3A_623 = arith.subf %add3A_609, %sub3A_595 : vector<16xf32>
      %mul3A_624 = arith.mulf %sub3A_622, %sub3A_623 : vector<16xf32>
      %add3A_625 = arith.addf %mul3A_624, %mul3A_553 : vector<16xf32>
      %sub3A_626 = arith.subf %add3A_625, %mul3A_621 : vector<16xf32>
      %max3A_627 = arith.constant 9.99999971E-10 : f32
      %max3A_628 = vector.broadcast %max3A_627 : f32 to vector<16xf32>
      %max3A_629 = arith.maximumf %sub3A_626, %max3A_628 : vector<16xf32>
      %div3A_630 = arith.divf %mul3A_621, %max3A_629 : vector<16xf32>
      %mul3A_631 = arith.constant 30 : i32
      %mul3A_632 = vector.broadcast %mul3A_631 : i32 to vector<16xi32>
      %mul3A_633 = arith.muli %add3A_49, %mul3A_632 : vector<16xi32>
      %add3A_634 = arith.constant 5 : i32
      %add3A_635 = vector.broadcast %add3A_634 : i32 to vector<16xi32>
      %add3A_636 = arith.addi %mul3A_633, %add3A_635 : vector<16xi32>
      %gather3A_637 = tpu.vector_load_idx %arg4[%add3A_636] : memref<47040xf32, #tpu.memory_space<vmem>>[vector<16xi32>], vector<16xf32>,
      %mul3A_638 = arith.constant 30 : i32
      %mul3A_639 = vector.broadcast %mul3A_638 : i32 to vector<16xi32>
      %mul3A_640 = arith.muli %add3A_49, %mul3A_639 : vector<16xi32>
      %add3A_641 = arith.constant 6 : i32
      %add3A_642 = vector.broadcast %add3A_641 : i32 to vector<16xi32>
      %add3A_643 = arith.addi %mul3A_640, %add3A_642 : vector<16xi32>
      %gather3A_644 = tpu.vector_load_idx %arg4[%add3A_643] : memref<47040xf32, #tpu.memory_space<vmem>>[vector<16xi32>], vector<16xf32>,
      %mul3A_645 = arith.constant 30 : i32
      %mul3A_646 = vector.broadcast %mul3A_645 : i32 to vector<16xi32>
      %mul3A_647 = arith.muli %add3A_49, %mul3A_646 : vector<16xi32>
      %add3A_648 = arith.constant 7 : i32
      %add3A_649 = vector.broadcast %add3A_648 : i32 to vector<16xi32>
      %add3A_650 = arith.addi %mul3A_647, %add3A_649 : vector<16xi32>
      %gather3A_651 = tpu.vector_load_idx %arg4[%add3A_650] : memref<47040xf32, #tpu.memory_space<vmem>>[vector<16xi32>], vector<16xf32>,
      %mul3A_652 = arith.constant 30 : i32
      %mul3A_653 = vector.broadcast %mul3A_652 : i32 to vector<16xi32>
      %mul3A_654 = arith.muli %add3A_49, %mul3A_653 : vector<16xi32>
      %add3A_655 = arith.constant 8 : i32
      %add3A_656 = vector.broadcast %add3A_655 : i32 to vector<16xi32>
      %add3A_657 = arith.addi %mul3A_654, %add3A_656 : vector<16xi32>
      %gather3A_658 = tpu.vector_load_idx %arg4[%add3A_657] : memref<47040xf32, #tpu.memory_space<vmem>>[vector<16xi32>], vector<16xf32>,
      %mul3A_659 = arith.constant 0.0714285746 : f32
      %mul3A_660 = vector.broadcast %mul3A_659 : f32 to vector<16xf32>
      %mul3A_661 = arith.mulf %gather3A_637, %mul3A_660 : vector<16xf32>
      %mul3A_662 = arith.constant 5.000000e-01 : f32
      %mul3A_663 = vector.broadcast %mul3A_662 : f32 to vector<16xf32>
      %mul3A_664 = arith.mulf %mul3A_663, %gather3A_651 : vector<16xf32>
      %sub3A_665 = arith.subf %mul3A_661, %mul3A_664 : vector<16xf32>
      %mul3A_666 = arith.constant 0.0714285746 : f32
      %mul3A_667 = vector.broadcast %mul3A_666 : f32 to vector<16xf32>
      %mul3A_668 = arith.mulf %gather3A_644, %mul3A_667 : vector<16xf32>
      %mul3A_669 = arith.constant 5.000000e-01 : f32
      %mul3A_670 = vector.broadcast %mul3A_669 : f32 to vector<16xf32>
      %mul3A_671 = arith.mulf %mul3A_670, %gather3A_658 : vector<16xf32>
      %sub3A_672 = arith.subf %mul3A_668, %mul3A_671 : vector<16xf32>
      %mul3A_673 = arith.constant 0.0714285746 : f32
      %mul3A_674 = vector.broadcast %mul3A_673 : f32 to vector<16xf32>
      %mul3A_675 = arith.mulf %gather3A_637, %mul3A_674 : vector<16xf32>
      %mul3A_676 = arith.constant 5.000000e-01 : f32
      %mul3A_677 = vector.broadcast %mul3A_676 : f32 to vector<16xf32>
      %mul3A_678 = arith.mulf %mul3A_677, %gather3A_651 : vector<16xf32>
      %add3A_679 = arith.addf %mul3A_675, %mul3A_678 : vector<16xf32>
      %mul3A_680 = arith.constant 0.0714285746 : f32
      %mul3A_681 = vector.broadcast %mul3A_680 : f32 to vector<16xf32>
      %mul3A_682 = arith.mulf %gather3A_644, %mul3A_681 : vector<16xf32>
      %mul3A_683 = arith.constant 5.000000e-01 : f32
      %mul3A_684 = vector.broadcast %mul3A_683 : f32 to vector<16xf32>
      %mul3A_685 = arith.mulf %mul3A_684, %gather3A_658 : vector<16xf32>
      %add3A_686 = arith.addf %mul3A_682, %mul3A_685 : vector<16xf32>
      %min3A_687 = arith.minimumf %add3A_679, %add3A_543 : vector<16xf32>
      %max3A_688 = arith.maximumf %sub3A_665, %sub3A_529 : vector<16xf32>
      %sub3A_689 = arith.subf %min3A_687, %max3A_688 : vector<16xf32>
      %max3A_690 = arith.constant 0.000000e+00 : f32
      %max3A_691 = vector.broadcast %max3A_690 : f32 to vector<16xf32>
      %max3A_692 = arith.maximumf %sub3A_689, %max3A_691 : vector<16xf32>
      %min3A_693 = arith.minimumf %add3A_686, %add3A_550 : vector<16xf32>
      %max3A_694 = arith.maximumf %sub3A_672, %sub3A_536 : vector<16xf32>
      %sub3A_695 = arith.subf %min3A_693, %max3A_694 : vector<16xf32>
      %max3A_696 = arith.constant 0.000000e+00 : f32
      %max3A_697 = vector.broadcast %max3A_696 : f32 to vector<16xf32>
      %max3A_698 = arith.maximumf %sub3A_695, %max3A_697 : vector<16xf32>
      %mul3A_699 = arith.mulf %max3A_692, %max3A_698 : vector<16xf32>
      %sub3A_700 = arith.subf %add3A_679, %sub3A_665 : vector<16xf32>
      %sub3A_701 = arith.subf %add3A_686, %sub3A_672 : vector<16xf32>
      %mul3A_702 = arith.mulf %sub3A_700, %sub3A_701 : vector<16xf32>
      %add3A_703 = arith.addf %mul3A_702, %mul3A_553 : vector<16xf32>
      %sub3A_704 = arith.subf %add3A_703, %mul3A_699 : vector<16xf32>
      %max3A_705 = arith.constant 9.99999971E-10 : f32
      %max3A_706 = vector.broadcast %max3A_705 : f32 to vector<16xf32>
      %max3A_707 = arith.maximumf %sub3A_704, %max3A_706 : vector<16xf32>
      %div3A_708 = arith.divf %mul3A_699, %max3A_707 : vector<16xf32>
      %mul3A_709 = arith.constant 30 : i32
      %mul3A_710 = vector.broadcast %mul3A_709 : i32 to vector<16xi32>
      %mul3A_711 = arith.muli %add3A_49, %mul3A_710 : vector<16xi32>
      %add3A_712 = arith.constant 4 : i32
      %add3A_713 = vector.broadcast %add3A_712 : i32 to vector<16xi32>
      %add3A_714 = arith.addi %mul3A_711, %add3A_713 : vector<16xi32>
      %gather3A_715 = tpu.vector_load_idx %arg4[%add3A_714] : memref<47040xf32, #tpu.memory_space<vmem>>[vector<16xi32>], vector<16xf32>,
      %mul3A_716 = arith.constant 30 : i32
      %mul3A_717 = vector.broadcast %mul3A_716 : i32 to vector<16xi32>
      %mul3A_718 = arith.muli %add3A_49, %mul3A_717 : vector<16xi32>
      %add3A_719 = arith.constant 9 : i32
      %add3A_720 = vector.broadcast %add3A_719 : i32 to vector<16xi32>
      %add3A_721 = arith.addi %mul3A_718, %add3A_720 : vector<16xi32>
      %gather3A_722 = tpu.vector_load_idx %arg4[%add3A_721] : memref<47040xf32, #tpu.memory_space<vmem>>[vector<16xi32>], vector<16xf32>,
      %gt3A_723 = arith.cmpf ogt, %div3A_708, %div3A_630 : vector<16xf32>
      %select_n3A_724 = arith.select %gt3A_723, %div3A_708, %div3A_630 : vector<16xi1>, vector<16xf32>
      %select_n3A_725 = arith.select %gt3A_723, %gather3A_722, %gather3A_715 : vector<16xi1>, vector<16xf32>
      %broadcast_in_dim3A_726 = arith.constant 0.000000e+00 : f32
      %broadcast_in_dim3A_727 = vector.broadcast %broadcast_in_dim3A_726 : f32 to vector<16xf32>
      %select_n3A_728 = arith.select %gt3A_723, %sub3A_665, %sub3A_588 : vector<16xi1>, vector<16xf32>
      %sub3A_729 = arith.subf %select_n3A_728, %sub3A_529 : vector<16xf32>
      %mul3A_730 = arith.mulf %sub3A_729, %sub3A_729 : vector<16xf32>
      %add3A_731 = arith.addf %broadcast_in_dim3A_727, %mul3A_730 : vector<16xf32>
      %select_n3A_732 = arith.select %gt3A_723, %sub3A_672, %sub3A_595 : vector<16xi1>, vector<16xf32>
      %sub3A_733 = arith.subf %select_n3A_732, %sub3A_536 : vector<16xf32>
      %mul3A_734 = arith.mulf %sub3A_733, %sub3A_733 : vector<16xf32>
      %add3A_735 = arith.addf %add3A_731, %mul3A_734 : vector<16xf32>
      %select_n3A_736 = arith.select %gt3A_723, %add3A_679, %add3A_602 : vector<16xi1>, vector<16xf32>
      %sub3A_737 = arith.subf %select_n3A_736, %add3A_543 : vector<16xf32>
      %mul3A_738 = arith.mulf %sub3A_737, %sub3A_737 : vector<16xf32>
      %add3A_739 = arith.addf %add3A_735, %mul3A_738 : vector<16xf32>
      %select_n3A_740 = arith.select %gt3A_723, %add3A_686, %add3A_609 : vector<16xi1>, vector<16xf32>
      %sub3A_741 = arith.subf %select_n3A_740, %add3A_550 : vector<16xf32>
      %mul3A_742 = arith.mulf %sub3A_741, %sub3A_741 : vector<16xf32>
      %add3A_743 = arith.addf %add3A_739, %mul3A_742 : vector<16xf32>
      %sub3A_744 = arith.subf %select_n3A_725, %select_n3A_724 : vector<16xf32>
      %add3A_745 = arith.addf %scan3A_41, %gather3A : vector<16xf32>
      %mul3A_746 = arith.mulf %gather3A, %sub3A_497 : vector<16xf32>
      %add3A_747 = arith.addf %scan3A_42, %mul3A_746 : vector<16xf32>
      %sub3A_748 = arith.constant 1.000000e+00 : f32
      %sub3A_749 = vector.broadcast %sub3A_748 : f32 to vector<16xf32>
      %sub3A_750 = arith.subf %sub3A_749, %gather3A : vector<16xf32>
      %mul3A_751 = arith.mulf %gather3A_715, %gather3A_715 : vector<16xf32>
      %mul3A_752 = arith.mulf %gather3A_722, %gather3A_722 : vector<16xf32>
      %add3A_753 = arith.addf %mul3A_751, %mul3A_752 : vector<16xf32>
      %mul3A_754 = arith.mulf %sub3A_750, %add3A_753 : vector<16xf32>
      %add3A_755 = arith.addf %scan3A_43, %mul3A_754 : vector<16xf32>
      %mul3A_756 = arith.mulf %gather3A, %add3A_743 : vector<16xf32>
      %add3A_757 = arith.addf %scan3A_44, %mul3A_756 : vector<16xf32>
      %mul3A_758 = arith.mulf %gather3A, %sub3A_744 : vector<16xf32>
      %mul3A_759 = arith.mulf %mul3A_758, %sub3A_744 : vector<16xf32>
      %add3A_760 = arith.addf %scan3A_45, %mul3A_759 : vector<16xf32>
      scf.yield %add3A_745, %add3A_747, %add3A_755, %add3A_757, %add3A_760 : vector<16xf32>, vector<16xf32>, vector<16xf32>, vector<16xf32>, vector<16xf32>
    }
    %scan3A_20 = arith.constant 98 : i32
    %swap3A = arith.constant 0 : i32
    %swap3A_21 = arith.index_cast %swap3A : i32 to index
    %swap3A_22 = arith.constant 0 : index
    %swap3A_23 = tpu.vector_load %arg8[%swap3A_21, %swap3A_22] {strides = array<i32>} : memref<5x16xf32, #tpu.memory_space<vmem>>, vector<16xf32>,
    tpu.vector_store %arg8[%swap3A_21, %swap3A_22], %scan3A_19#0 {strides = array<i32>} : memref<5x16xf32, #tpu.memory_space<vmem>>, vector<16xf32>,
    %swap3A_24 = arith.constant 1 : i32
    %swap3A_25 = arith.index_cast %swap3A_24 : i32 to index
    %swap3A_26 = arith.constant 0 : index
    %swap3A_27 = tpu.vector_load %arg8[%swap3A_25, %swap3A_26] {strides = array<i32>} : memref<5x16xf32, #tpu.memory_space<vmem>>, vector<16xf32>,
    tpu.vector_store %arg8[%swap3A_25, %swap3A_26], %scan3A_19#1 {strides = array<i32>} : memref<5x16xf32, #tpu.memory_space<vmem>>, vector<16xf32>,
    %swap3A_28 = arith.constant 2 : i32
    %swap3A_29 = arith.index_cast %swap3A_28 : i32 to index
    %swap3A_30 = arith.constant 0 : index
    %swap3A_31 = tpu.vector_load %arg8[%swap3A_29, %swap3A_30] {strides = array<i32>} : memref<5x16xf32, #tpu.memory_space<vmem>>, vector<16xf32>,
    tpu.vector_store %arg8[%swap3A_29, %swap3A_30], %scan3A_19#2 {strides = array<i32>} : memref<5x16xf32, #tpu.memory_space<vmem>>, vector<16xf32>,
    %swap3A_32 = arith.constant 3 : i32
    %swap3A_33 = arith.index_cast %swap3A_32 : i32 to index
    %swap3A_34 = arith.constant 0 : index
    %swap3A_35 = tpu.vector_load %arg8[%swap3A_33, %swap3A_34] {strides = array<i32>} : memref<5x16xf32, #tpu.memory_space<vmem>>, vector<16xf32>,
    tpu.vector_store %arg8[%swap3A_33, %swap3A_34], %scan3A_19#3 {strides = array<i32>} : memref<5x16xf32, #tpu.memory_space<vmem>>, vector<16xf32>,
    %swap3A_36 = arith.constant 4 : i32
    %swap3A_37 = arith.index_cast %swap3A_36 : i32 to index
    %swap3A_38 = arith.constant 0 : index
    %swap3A_39 = tpu.vector_load %arg8[%swap3A_37, %swap3A_38] {strides = array<i32>} : memref<5x16xf32, #tpu.memory_space<vmem>>, vector<16xf32>,
    tpu.vector_store %arg8[%swap3A_37, %swap3A_38], %scan3A_19#4 {strides = array<i32>} : memref<5x16xf32, #tpu.memory_space<vmem>>, vector<16xf32>,
    "tpu.region"() ({
      %run_scoped3A = tpu.sem_alloc : memref<!tpu.dma_semaphore, #tpu.memory_space<semaphore_mem>>
      %dma_start3A = arith.constant 0 : i32
      %dma_start3A_40 = arith.constant 0 : i32
      %dma_start3A_41 = tpu.memref_slice %arg3[%add3A, %dma_start3A, %dma_start3A_40] : memref<32x5x16xf32, #tpu.memory_space<hbm>> -> memref<1x5x16xf32, #tpu.memory_space<hbm>>
      %dma_start3A_42 = tpu.memref_squeeze %dma_start3A_41 : memref<1x5x16xf32, #tpu.memory_space<hbm>> -> memref<5x16xf32, #tpu.memory_space<hbm>>
      %dma_start3A_43 = arith.constant 0 : i32
      %dma_start3A_44 = arith.constant 0 : i32
      %dma_start3A_45 = tpu.memref_slice %arg3[%add3A, %dma_start3A_43, %dma_start3A_44] : memref<32x5x16xf32, #tpu.memory_space<hbm>> -> memref<1x5x16xf32, #tpu.memory_space<hbm>>
      %dma_start3A_46 = tpu.memref_squeeze %dma_start3A_45 : memref<1x5x16xf32, #tpu.memory_space<hbm>> -> memref<5x16xf32, #tpu.memory_space<hbm>>
      tpu.enqueue_dma source(%arg8 : memref<5x16xf32, #tpu.memory_space<vmem>>) target(%dma_start3A_46 : memref<5x16xf32, #tpu.memory_space<hbm>>) target_semaphore(%run_scoped3A : memref<!tpu.dma_semaphore, #tpu.memory_space<semaphore_mem>>)
      %dma_wait3A = arith.constant 0 : i32
      %dma_wait3A_47 = arith.constant 0 : i32
      %dma_wait3A_48 = tpu.memref_slice %arg3[%add3A, %dma_wait3A, %dma_wait3A_47] : memref<32x5x16xf32, #tpu.memory_space<hbm>> -> memref<1x5x16xf32, #tpu.memory_space<hbm>>
      %dma_wait3A_49 = tpu.memref_squeeze %dma_wait3A_48 : memref<1x5x16xf32, #tpu.memory_space<hbm>> -> memref<5x16xf32, #tpu.memory_space<hbm>>
      %dma_wait3A_50 = arith.constant 0 : i32
      %dma_wait3A_51 = arith.constant 0 : i32
      %dma_wait3A_52 = tpu.memref_slice %arg3[%add3A, %dma_wait3A_50, %dma_wait3A_51] : memref<32x5x16xf32, #tpu.memory_space<hbm>> -> memref<1x5x16xf32, #tpu.memory_space<hbm>>
      %dma_wait3A_53 = tpu.memref_squeeze %dma_wait3A_52 : memref<1x5x16xf32, #tpu.memory_space<hbm>> -> memref<5x16xf32, #tpu.memory_space<hbm>>
      tpu.wait_dma2 semaphore(%run_scoped3A : memref<!tpu.dma_semaphore, #tpu.memory_space<semaphore_mem>>) src(%arg8 : memref<5x16xf32, #tpu.memory_space<vmem>>) dst(%dma_wait3A_53 : memref<5x16xf32, #tpu.memory_space<hbm>>)
      tpu.yield
    }) : () -> ()
    return
  }
}

module attributes {stable_mosaic.version = 14 : i64} {
  func.func @_final_kernel(%arg0: memref<32x5x16xf32, #tpu.memory_space<vmem>>, %arg1: memref<1x1xf32, #tpu.memory_space<vmem>>) attributes {dimension_semantics = [], scalar_prefetch = 0 : i64, scratch_operands = 0 : i64, tpu.core_type = #tpu.core_type<tc>} {
    %get3A = arith.constant 0 : index
    %get3A_0 = arith.constant 0 : index
    %get3A_1 = arith.constant 0 : index
    %get3A_2 = vector.load %arg0[%get3A, %get3A_0, %get3A_1] : memref<32x5x16xf32, #tpu.memory_space<vmem>>, vector<32x5x16xf32>
    %slice3A = vector.extract_strided_slice %get3A_2 {offsets = [0, 0, 0], sizes = [32, 1, 16], strides = [1, 1, 1]} : vector<32x5x16xf32> to vector<32x1x16xf32>
    %squeeze3A = vector.shape_cast %slice3A : vector<32x1x16xf32> to vector<32x16xf32>
    %reduce_sum3A = vector.shape_cast %squeeze3A : vector<32x16xf32> to vector<1x32x16xf32>
    %reduce_sum3A_3 = arith.constant dense<0.000000e+00> : vector<1xf32>
    %reduce_sum3A_4 = vector.multi_reduction <add>, %reduce_sum3A, %reduce_sum3A_3 [1, 2] : vector<1x32x16xf32> to vector<1xf32>
    %reduce_sum3A_5 = vector.shape_cast %reduce_sum3A_4 : vector<1xf32> to vector<1x1x1xf32>
    %reduce_sum3A_6 = vector.extract %reduce_sum3A_5[0, 0, 0] : f32 from vector<1x1x1xf32>
    %slice3A_7 = vector.extract_strided_slice %get3A_2 {offsets = [0, 1, 0], sizes = [32, 1, 16], strides = [1, 1, 1]} : vector<32x5x16xf32> to vector<32x1x16xf32>
    %squeeze3A_8 = vector.shape_cast %slice3A_7 : vector<32x1x16xf32> to vector<32x16xf32>
    %reduce_sum3A_9 = vector.shape_cast %squeeze3A_8 : vector<32x16xf32> to vector<1x32x16xf32>
    %reduce_sum3A_10 = arith.constant dense<0.000000e+00> : vector<1xf32>
    %reduce_sum3A_11 = vector.multi_reduction <add>, %reduce_sum3A_9, %reduce_sum3A_10 [1, 2] : vector<1x32x16xf32> to vector<1xf32>
    %reduce_sum3A_12 = vector.shape_cast %reduce_sum3A_11 : vector<1xf32> to vector<1x1x1xf32>
    %reduce_sum3A_13 = vector.extract %reduce_sum3A_12[0, 0, 0] : f32 from vector<1x1x1xf32>
    %slice3A_14 = vector.extract_strided_slice %get3A_2 {offsets = [0, 2, 0], sizes = [32, 1, 16], strides = [1, 1, 1]} : vector<32x5x16xf32> to vector<32x1x16xf32>
    %squeeze3A_15 = vector.shape_cast %slice3A_14 : vector<32x1x16xf32> to vector<32x16xf32>
    %reduce_sum3A_16 = vector.shape_cast %squeeze3A_15 : vector<32x16xf32> to vector<1x32x16xf32>
    %reduce_sum3A_17 = arith.constant dense<0.000000e+00> : vector<1xf32>
    %reduce_sum3A_18 = vector.multi_reduction <add>, %reduce_sum3A_16, %reduce_sum3A_17 [1, 2] : vector<1x32x16xf32> to vector<1xf32>
    %reduce_sum3A_19 = vector.shape_cast %reduce_sum3A_18 : vector<1xf32> to vector<1x1x1xf32>
    %reduce_sum3A_20 = vector.extract %reduce_sum3A_19[0, 0, 0] : f32 from vector<1x1x1xf32>
    %slice3A_21 = vector.extract_strided_slice %get3A_2 {offsets = [0, 3, 0], sizes = [32, 1, 16], strides = [1, 1, 1]} : vector<32x5x16xf32> to vector<32x1x16xf32>
    %squeeze3A_22 = vector.shape_cast %slice3A_21 : vector<32x1x16xf32> to vector<32x16xf32>
    %reduce_sum3A_23 = vector.shape_cast %squeeze3A_22 : vector<32x16xf32> to vector<1x32x16xf32>
    %reduce_sum3A_24 = arith.constant dense<0.000000e+00> : vector<1xf32>
    %reduce_sum3A_25 = vector.multi_reduction <add>, %reduce_sum3A_23, %reduce_sum3A_24 [1, 2] : vector<1x32x16xf32> to vector<1xf32>
    %reduce_sum3A_26 = vector.shape_cast %reduce_sum3A_25 : vector<1xf32> to vector<1x1x1xf32>
    %reduce_sum3A_27 = vector.extract %reduce_sum3A_26[0, 0, 0] : f32 from vector<1x1x1xf32>
    %slice3A_28 = vector.extract_strided_slice %get3A_2 {offsets = [0, 4, 0], sizes = [32, 1, 16], strides = [1, 1, 1]} : vector<32x5x16xf32> to vector<32x1x16xf32>
    %squeeze3A_29 = vector.shape_cast %slice3A_28 : vector<32x1x16xf32> to vector<32x16xf32>
    %reduce_sum3A_30 = vector.shape_cast %squeeze3A_29 : vector<32x16xf32> to vector<1x32x16xf32>
    %reduce_sum3A_31 = arith.constant dense<0.000000e+00> : vector<1xf32>
    %reduce_sum3A_32 = vector.multi_reduction <add>, %reduce_sum3A_30, %reduce_sum3A_31 [1, 2] : vector<1x32x16xf32> to vector<1xf32>
    %reduce_sum3A_33 = vector.shape_cast %reduce_sum3A_32 : vector<1xf32> to vector<1x1x1xf32>
    %reduce_sum3A_34 = vector.extract %reduce_sum3A_33[0, 0, 0] : f32 from vector<1x1x1xf32>
    %max3A = arith.constant 1.000000e+00 : f32
    %max3A_35 = arith.maximumf %reduce_sum3A_6, %max3A : f32
    %sub3A = arith.constant 5.017600e+04 : f32
    %sub3A_36 = arith.subf %sub3A, %reduce_sum3A_6 : f32
    %max3A_37 = arith.constant 1.000000e+00 : f32
    %max3A_38 = arith.maximumf %sub3A_36, %max3A_37 : f32
    %mul3A = arith.constant 5.000000e+00 : f32
    %mul3A_39 = arith.mulf %mul3A, %reduce_sum3A_27 : f32
    %add3A = arith.addf %mul3A_39, %reduce_sum3A_34 : f32
    %mul3A_40 = arith.constant 5.000000e-01 : f32
    %mul3A_41 = arith.mulf %mul3A_40, %reduce_sum3A_20 : f32
    %div3A = arith.divf %mul3A_41, %max3A_38 : f32
    %add3A_42 = arith.addf %add3A, %div3A : f32
    %div3A_43 = arith.divf %reduce_sum3A_13, %max3A_35 : f32
    %add3A_44 = arith.addf %add3A_42, %div3A_43 : f32
    %mul3A_45 = arith.constant 3.906250e-03 : f32
    %mul3A_46 = arith.mulf %mul3A_45, %add3A_44 : f32
    %broadcast_in_dim3A = vector.broadcast %mul3A_46 : f32 to vector<1x1xf32>
    %swap3A = arith.constant 0 : index
    %swap3A_47 = arith.constant 0 : index
    %swap3A_48 = vector.load %arg1[%swap3A, %swap3A_47] : memref<1x1xf32, #tpu.memory_space<vmem>>, vector<1x1xf32>
    tpu.vector_store %arg1[%swap3A, %swap3A_47], %broadcast_in_dim3A {strides = array<i32>} : memref<1x1xf32, #tpu.memory_space<vmem>>, vector<1x1xf32>,
    return
  }
}

</mosaic_0001>

<sc_bundles>
// kernel: kernel.4.cloned.1.call-start
scs
__scs_entry_jumppad:
0x0: {  	(pc) =	sbr.rel $0x88, $3  }
0x1: {  	(tag) =	ssettag $0x0;
	lr =	simm.s32 $0x1  }
0x2: {  	[smem:$0x3F9D] =	sst lr;
	_ =	strace $0xD0000000  }
0x3: {  	_ = 	snop  }
0x4: {  	_ = 	snop  }
0x5: {  	_ = 	snop  }
0x6: {  	_ = 	snop  }
0x7: {  	_ = 	snop  }
__scs_overlays_trampoline_lowered:
0x8: {  	[smem:$0x3FAC] =	sst s0  }
0x9: {  	[smem:$0x3FAD] =	sst s1  }
0xa: {  	[smem:$0x3FAE] =	sst s2  }
0xb: {  	[smem:$0x3FAF] =	sst s3  }
0xc: {  	[smem:$0x3FB0] =	sst s4  }
0xd: {  	[smem:$0x3FB1] =	sst s5  }
0xe: {  	[smem:$0x3FB2] =	sst s6  }
0xf: {  	[smem:$0x3FB3] =	sst s7  }
0x10: {  	[smem:$0x3FB4] =	sst s8  }
0x11: {  	[smem:$0x3FB5] =	sst s9;
	s0 =	simm.s32 @!p0 $0x0  }
0x12: {  	s1 =	sld [smem:$0x3F9B];
	s0 =	simm.s32 @p0 $0x1  }
0x13: {  	[smem:$0x3FB6] =	sst s0;
	s0 =	simm.s32 @!p1 $0x0  }
0x14: {  	s2 =	sld [smem:$0x3F9A];
	s0 =	simm.s32 @p1 $0x1  }
0x15: {  	[smem:$0x3FB7] =	sst s0;
	s0 =	simm.s32 @!p2 $0x0  }
0x16: {  	s3 =	sld [smem:$0x3FDB];
	s0 =	simm.s32 @p2 $0x1  }
0x17: {  	s4 =	simm.s32 $0x1BF5;
	[smem:$0x3FB9] =	sst s0  }
0x18: {  	s0 =	sld [smem:$0x3F9C];
	_ =	swait.ge [sflag:s4], $0x0  }
0x19: {  	s7 =	sld [smem:$0x3F9D]  }
0x1a: {  	s8 =	sadd.s32 $0xFFFFE003, lr  }
0x1b: {  	s9 =	sadd.s32 $0xFFFFFEF7, lr;
	s5 =	simm.s32 $0xFFFFFFFF;
	p2 =	slt.u32 s8, $0xFFFFF086  }
0x1c: {  	p1 =	slt.u32 s9, $0xF7A;
	s5 =	simm.s32 @!p2 $0x0  }
0x1d: {  	s5 =	simm.s32 @p1 $0x1;
	p0 =	seq.s32 s7, s2  }
0x1e: {  	s7 =	smul.u32 @!p0 $0xF7A, s2;
	p2 =	seq.s32 @!p0 s5, $0x0  }
0x1f: {  	s9 =	smul.u32 $0xF7A, s1;
	s8 =	simm.s32 @!p0 $0x1BF5;
	p2 =	por !p2, p0  }
0x20: {  	[sflag:s8] =	ssyncset.s32 @!p0 $0xFFFFF086;
	s6 =	sadd.s32 @!p0 s3, s7;
	s7 =	simm.s32 @!p0 $0x108  }
0x21: {  	s3 =	sadd.s32 s3, s9;
	s6 =	sadd.s32 @!p0 $0x88, s6;
	s7 =	simm.s32 @p2 $0x1082  }
0x22: {  	[simem:s7], [sflag:s8] =	dma.local @!p0 [hbm:s6], $0xF7A  }
0x23: {  	s9 =	sor.u32 $0xD0000000, s2;
	s6 =	simm.s32 $0x108;
	_ =	swait.ge @!p0 [sflag:s8], $0x0  }
0x24: {  	s3 =	sadd.s32 $0x88, s3;
	s6 =	simm.s32 @!p1 $0x1082;
	[sflag:s4] =	ssyncset.s32 $0xFFFFF086  }
0x25: {  	[simem:s6], [sflag:s4] =	dma.local [hbm:s3], $0xF7A  }
0x26: {  	[smem:$0x3F9D] =	sst s1;
	(tag) =	ssettag s2;
	_ =	strace s9  }
0x27: {  	s1 =	sld [smem:$0x3FAD]  }
0x28: {  	s2 =	sld [smem:$0x3FAE]  }
0x29: {  	s4 =	sld [smem:$0x3FB0]  }
0x2a: {  	p0 =	seq.s32 s5, $0x0;
	s5 =	sld [smem:$0x3FB1]  }
0x2b: {  	s6 =	sld [smem:$0x3FB2]  }
0x2c: {  	s7 =	sld [smem:$0x3FB3]  }
0x2d: {  	s3 =	simm.s32 $0x108;
	s8 =	sld [smem:$0x3FB4]  }
0x2e: {  	s3 =	simm.s32 @!p0 $0x1082;
	s9 =	sld [smem:$0x3FB5]  }
0x2f: {  	lr =	sadd.s32 s0, s3;
	s0 =	sld [smem:$0x3FAC]  }
0x30: {  	s3 =	sld [smem:$0x3FAF]  }
0x31: {  	[smem:$0x3FB8] =	sst s10  }
0x32: {  	s10 =	sld [smem:$0x3FB6];
	_ =	sdelay $0x3  }
0x33: {  	p0 =	seq.s32 s10, $0x1;
	s10 =	sld [smem:$0x3FB8];
	_ =	sdelay $0x3  }
0x34: {  	[smem:$0x3FB8] =	sst s10  }
0x35: {  	s10 =	sld [smem:$0x3FB7];
	_ =	sdelay $0x3  }
0x36: {  	p1 =	seq.s32 s10, $0x1;
	s10 =	sld [smem:$0x3FB8];
	_ =	sdelay $0x3  }
0x37: {  	[smem:$0x3FB8] =	sst s10  }
0x38: {  	s10 =	sld [smem:$0x3FB9]  }
0x39: {  	_ = 	snop;
	(pc) =	sbr.ind lr, $3  }
0x3a: {  	_ = 	snop  }
0x3b: {  	_ = 	snop  }
0x3c: {  	p2 =	seq.s32 s10, $0x1;
	s10 =	sld [smem:$0x3FB8]  }
0x3d: {  	_ =	shalt  }
0x3e: {  	_ =	shalt  }
0x3f: {  	_ =	shalt  }
0x40: {  	_ =	shalt  }
0x41: {  	_ =	shalt  }
0x42: {  	_ =	shalt  }
0x43: {  	_ =	shalt  }
0x44: {  	_ =	shalt  }
0x45: {  	_ =	shalt  }
0x46: {  	_ =	shalt  }
0x47: {  	_ =	shalt  }
0x48: {  	_ =	shalt  }
0x49: {  	_ =	shalt  }
0x4a: {  	_ =	shalt  }
0x4b: {  	_ =	shalt  }
0x4c: {  	_ =	shalt  }
0x4d: {  	_ =	shalt  }
0x4e: {  	_ =	shalt  }
0x4f: {  	_ =	shalt  }
0x50: {  	_ =	shalt  }
0x51: {  	_ =	shalt  }
0x52: {  	_ =	shalt  }
0x53: {  	_ =	shalt  }
0x54: {  	_ =	shalt  }
0x55: {  	_ =	shalt  }
0x56: {  	_ =	shalt  }
0x57: {  	_ =	shalt  }
0x58: {  	_ =	shalt  }
0x59: {  	_ =	shalt  }
0x5a: {  	_ =	shalt  }
0x5b: {  	_ =	shalt  }
0x5c: {  	_ =	shalt  }
0x5d: {  	_ =	shalt  }
0x5e: {  	_ =	shalt  }
0x5f: {  	_ =	shalt  }
0x60: {  	_ =	shalt  }
0x61: {  	_ =	shalt  }
0x62: {  	_ =	shalt  }
0x63: {  	_ =	shalt  }
0x64: {  	_ =	shalt  }
0x65: {  	_ =	shalt  }
0x66: {  	_ =	shalt  }
0x67: {  	_ =	shalt  }
0x68: {  	_ =	shalt  }
0x69: {  	_ =	shalt  }
0x6a: {  	_ =	shalt  }
0x6b: {  	_ =	shalt  }
0x6c: {  	_ =	shalt  }
0x6d: {  	_ =	shalt  }
0x6e: {  	_ =	shalt  }
0x6f: {  	_ =	shalt  }
0x70: {  	_ =	shalt  }
0x71: {  	_ =	shalt  }
0x72: {  	_ =	shalt  }
0x73: {  	_ =	shalt  }
0x74: {  	_ =	shalt  }
0x75: {  	_ =	shalt  }
0x76: {  	_ =	shalt  }
0x77: {  	_ =	shalt  }
0x78: {  	_ =	shalt  }
0x79: {  	_ =	shalt  }
0x7a: {  	_ =	shalt  }
0x7b: {  	_ =	shalt  }
0x7c: {  	_ =	shalt  }
0x7d: {  	_ =	shalt  }
0x7e: {  	_ =	shalt  }
0x7f: {  	_ =	shalt  }
0x80: {  	_ =	shalt  }
0x81: {  	_ =	shalt  }
0x82: {  	_ =	shalt  }
0x83: {  	_ =	shalt  }
0x84: {  	_ =	shalt  }
0x85: {  	_ =	shalt  }
0x86: {  	_ =	shalt  }
0x87: {  	_ =	shalt  }
.Lfunc_end0:
.L_simem_size_0:
called_computation_lowered:
.L_overlay_start_0:
0x88: {  	s2 =	sld [smem:$0x3FD9]  }
0x89: {  	s3 =	sld [smem:$0x3FFE];
	_ =	sdelay $0x1  }
0x8a: {  	s1 =	srdreg.scid  }
0x8b: {  	s0 =	sand.u32 $0x1, s1  }
0x8c: {  	s16 =	sshll.u32 s0, $0xA;
	s2 =	sadd.s32 s3, s2  }
0x8d: {  	s2 =	sadd.s32 s2, s16  }
0x8e: {  	[smem:$0x3FC4] =	sst s2  }
0x8f: {  	_ = 	snop  }
0x90: {  	(tm) =	ssettm $0x1  }
0x91: {  	s17 =	sld [smem:$0x3FFB];
	_ =	sdelay $0x3  }
0x92: {  	_ =	strace s17  }
0x93: {  	s2 =	sld [smem:$0x3FFC];
	_ =	sdelay $0x3  }
0x94: {  	_ =	strace s2  }
0x95: {  	s2 =	sld [smem:$0x3FFD];
	_ =	sdelay $0x3  }
0x96: {  	_ =	strace s2  }
0x97: {  	_ =	strace $0x8FFFFFFF  }
0x98: {  	s18 =	sld [smem:$0x3FDB];
	_ =	sdelay $0x1  }
0x99: {  	s19 =	simm.s32 $_scs_section_size  }
0x9a: {  	s4 =	simm.s32 $_size__tile_overlayer_lowered;
	s5 =	simm.s32 $_tile_overlayer_lowered  }
0x9b: {  	s22 =	simm.s32 $0x1BFF;
	s21 =	sshll.u32 s5, $0x1;
	s2 =	sadd.s32 s19, s18  }
0x9c: {  	s6 =	simm.s32 $0x0;
	s20 =	sshll.u32 s4, $0x1;
	s4 =	sadd.s32 s21, s2  }
0x9d: {  	[timem:s6], [sflag:s22] =	dma.local [hbm:s4], s20  }
0x9e: {  	_ =	swait.ge [sflag:s22], s20  }
0x9f: {  	s3 =	ssub.s32 $0x0, s20;
	[sflag:s22] =	ssyncset.done $0x0  }
0xa0: {  	[sflag:s22] =	ssyncadd.s32 s3;
	_ =	sdelay $0x1  }
0xa1: {  	s23 =	simm.s32 $0x1B8B  }
0xa2: {  	_ =	swait.ge [sflag:s23], $0x1  }
0xa3: {  	[sflag:s23] =	ssyncset.done $0x0  }
0xa4: {  	s25 =	simm.s32 $0x1B8E;
	s24 =	sld [smem:$0x3FFE];
	[sflag:s23] =	ssyncadd.s32 $0xFFFFFFFF  }
0xa5: {  	s26 =	simm.s32 $execute0_lowered;
	[smem:$0x3FD2] =	sst s25  }
0xa6: {  	s4 =	sshll.u32 s26, $0x1;
	_ =	strace $0x80000046;
	[dreg:$0x1] =	wrdreg $0xFFFFFFFF  }
0xa7: {  	s28 =	simm.s32 $_size_execute0_lowered;
	s2 =	sadd.s32 s2, s4;
	[dreg:$0x0] =	wrdreg $0x0  }
0xa8: {  	s4 =	sshll.u32 s28, $0x1;
	[dreg:$0x2] =	wrdreg s2  }
0xa9: {  	[dreg:$0x3] =	wrdreg s4  }
0xaa: {  	[dreg:$0x4] =	wrdreg $0xC0  }
0xab: {  	_ =	task [dreg:s6], $0x5FFFF  }
0xac: {  	[dreg:$0x1] =	wrdreg $0xFFFFFFFF  }
0xad: {  	[dreg:$0x0] =	wrdreg $0x60  }
0xae: {  	[dreg:$0x2] =	wrdreg s24  }
0xaf: {  	[dreg:$0x3] =	wrdreg $0x9  }
0xb0: {  	_ =	task.clear_ibuf [dreg:s6], $0x4FFFF;
	_ =	strace $0x90000046  }
0xb1: {  	s29 =	simm.s32 $0x9;
	_ =	strace $0x80000048  }
0xb2: {  	_ =	swait.ge [sflag:s29], $0x1  }
0xb3: {  	[sflag:s29] =	ssyncadd.s32 $0xFFFFFFFF  }
0xb4: {  	_ =	strace $0x90000048  }
0xb5: {  	_ =	sfence  }
0xb6: {  	s30 =	sld [smem:$0x0];
	_ =	sdelay $0x2  }
0xb7: {  	s31 =	sshll.u32 s1, $0xD;
	s1 =	sshrl.u32 s1, $0x2  }
0xb8: {  	s3 =	sand.u32 $0x4000, s31;
	s1 =	sadd.s32 s1, s30  }
0xb9: {  	s0 =	sor.u32 s3, s0;
	s1 =	sshll.u32 s1, $0x11  }
0xba: {  	s0 =	sor.u32 s1, s0  }
0xbb: {  	s0 =	sadd.s32 $0x8F2B, s0  }
0xbc: {  	[sflag:s0] =	ssyncadd.remote.s32 $0x1  }
0xbd: {  	_ =	sfence.sel $0xFFFF  }
0xbe: {  	[dreg:$0x0] =	wrdreg $0xFFFFFFFF;
	(pc) =	sbr.abs _section_cstart, $3  }
0xbf: {  	[dreg:$0x1] =	wrdreg $0xFFFFFFFF  }
0xc0: {  	_ =	task.clear_ibuf [dreg:s6], $0x2FFFF;
	_ =	strace $0x9FFFFFFF  }
0xc1: {  	(tm) =	ssettm $0x7FFFFFFF  }
tec
execute0_lowered:
.L_overlay_start_1:
0x0: {  	(tag) =	ssettag $0x1  }
0x1: {  	s3 =	rddreg [dreg:$0x0];
	s1 =	srdreg.scid  }
0x2: {  	s0 =	rddreg [dreg:$0x1];
	s2 =	simm.s32 $0x0;
	s4 =	sand.u32 $0x1, s1  }
0x3: {  	s12 =	simm.s32 $0x14B00;
	s1 =	stileid.u32;
	s5 =	sshll.u32 s4, $0x4  }
0x4: {  	s13 =	simm.s32 $0x15180;
	s14 =	simm.s32 $0x0;
	s5 =	sor.u32 s1, s5  }
0x5: {  	[smem:$0x7FF] =	sst s2;
	s7 =	sadd.s32 $0x34A00, s3;
	s6 =	smul.u32 $0x16F8, s5  }
0x6: {  	_ =	strace $0x80000047;
	s4 =	ssub.s32 $0x2, s4;
	s8 =	smul.u32 $0x1880, s5  }
0x7: {  	s10 =	sshrl.u32 s4, $0x1;
	s9 =	sshll.u32 s5, $0x7;
	s11 =	smul.u32 $0x7A80, s5  }
0x8: {  	s10 =	ssub.s32 s4, s10;
	s26 =	smul.u32 $0x620, s5;
	s9 =	sadd.s32 s9, s3  }
0x9: {  	s3 =	sadd.s32 s7, s6;
	s28 =	sshrl.u32 s8, $0x3;
	s29 =	sshrl.u32 s11, $0x3  }
0xa: {  	s30 =	sshrl.u32 s26, $0x3;
	s8 =	smax.u32 s10, $0x1;
	s10 =	simm.s32 $0xB800  }
0xb: {  	s11 =	simm.s32 $0xD080;
	s5 =	sadd.s32 s7, s28;
	s6 =	sadd.s32 s7, s29  }
0xc: {  	s31 =	sadd.s32 s7, s30;
	s7 =	sadd.s32 $0x800, s9;
	s9 =	simm.s32 $0x1  }
0xd: {  	v0 =	vlaneseq.u32;
	s4 =	sadd.s32 $0x2DF00, s5;
	s5 =	sadd.s32 $0x34100, s6;
	s6 =	sadd.s32 $0x52B00, s31  }
.LBB2_1:
0xe: {  	[tilespmem:s2], [sflag:$0x1] =	stream.linear.gather [hbm4b:s3+s2], $0xB7C0, $0x38;
	[tilespmem:$0x15580] =	vst v63  }
0xf: {  	_ =	swait.ge [sflag:s9], $0xB7C0  }
0x10: {  	[sflag:s9] =	ssyncset.done $0x0  }
0x11: {  	[sflag:s9] =	ssyncadd.s32 $0xFFFF4840  }
0x12: {  	[tilespmem:s10], [sflag:$0x1] =	stream.linear.gather [hbm4b:s4+s2], $0x1880, $0x38;
	[tilespmem:$0x15580] =	vst v63  }
0x13: {  	_ =	swait.ge [sflag:s9], $0x1880  }
0x14: {  	[sflag:s9] =	ssyncset.done $0x0  }
0x15: {  	[sflag:s9] =	ssyncadd.s32 $0xFFFFE780  }
0x16: {  	v1 =	vor.u32 s2, v0;
	[tilespmem:s11], [sflag:$0x1] =	stream.linear.gather [hbm4b:s5+s2], $0x7A80, $0x38;
	[tilespmem:$0x15580] =	vst v63  }
0x17: {  	v3 =	vmul.u32 $0x1E, v1;
	_ =	swait.ge [sflag:s9], $0x7A80  }
0x18: {  	[sflag:s9] =	ssyncset.done $0x0  }
0x19: {  	v2 =	vadd.s32 $0xA, v3;
	[sflag:s9] =	ssyncadd.s32 $0xFFFF8580  }
0x1a: {  	v4 =	vadd.s32 $0xB, v3;
	[tilespmem:s12], [sflag:$0x1] =	stream.linear.gather [hbm4b:s6+s2], $0x620, $0x38;
	[tilespmem:$0x15580] =	vst v63  }
0x1b: {  	v5 =	vadd.s32 $0xC, v3;
	_ =	swait.ge [sflag:s9], $0x620  }
0x1c: {  	v6 =	vadd.s32 $0xD, v3;
	[sflag:s9] =	ssyncset.done $0x0  }
0x1d: {  	v7 =	vadd.s32 $0xE, v3;
	[sflag:s9] =	ssyncadd.s32 $0xFFFFF9E0  }
0x1e: {  	v8 =	vadd.s32 $0xF, v3;
	v38 =	vld.idx.msk [tilespmem:v2+s2+$0x0], $0xffff  }
0x1f: {  	v45 =	vld.idx.msk [tilespmem:v4+s2+$0x0], $0xffff;
	v2 =	vadd.s32 $0x10, v3  }
0x20: {  	v4 =	vadd.s32 $0x11, v3;
	v44 =	vld.idx.msk [tilespmem:v5+s2+$0x0], $0xffff  }
0x21: {  	v39 =	vld.idx.msk [tilespmem:v6+s2+$0x0], $0xffff;
	v5 =	vadd.s32 $0x12, v3  }
0x22: {  	v6 =	vadd.s32 $0x13, v3;
	v43 =	vld.idx.msk [tilespmem:v7+s2+$0x0], $0xffff  }
0x23: {  	v42 =	vld.idx.msk [tilespmem:v8+s2+$0x0], $0xffff;
	v7 =	vadd.s32 $0x14, v3  }
0x24: {  	v24 =	vld.idx.msk [tilespmem:v2+s2+$0x0], $0xffff;
	v2 =	vadd.s32 $0x15, v3;
	v8 =	vmax.f32 v38, v45  }
0x25: {  	v25 =	vld.idx.msk [tilespmem:v4+s2+$0x0], $0xffff;
	v4 =	vadd.s32 $0x16, v3;
	v8 =	vmax.f32 v8, v44  }
0x26: {  	v40 =	vld.idx.msk [tilespmem:v5+s2+$0x0], $0xffff;
	v5 =	vadd.s32 $0x17, v3;
	v8 =	vmax.f32 v8, v39  }
0x27: {  	v41 =	vld.idx.msk [tilespmem:v6+s2+$0x0], $0xffff;
	v6 =	vadd.s32 $0x18, v3;
	v8 =	vmax.f32 v8, v43  }
0x28: {  	v23 =	vld.idx.msk [tilespmem:v7+s2+$0x0], $0xffff;
	v7 =	vadd.s32 $0x19, v3;
	v8 =	vmax.f32 v8, v42  }
0x29: {  	v22 =	vld.idx.msk [tilespmem:v2+s2+$0x0], $0xffff;
	v2 =	vadd.s32 $0x1A, v3;
	v8 =	vmax.f32 v8, v24  }
0x2a: {  	v30 =	vld.idx.msk [tilespmem:v4+s2+$0x0], $0xffff;
	v4 =	vadd.s32 $0x1B, v3;
	v8 =	vmax.f32 v8, v25  }
0x2b: {  	v29 =	vld.idx.msk [tilespmem:v5+s2+$0x0], $0xffff;
	v5 =	vadd.s32 $0x1C, v3;
	v8 =	vmax.f32 v8, v40  }
0x2c: {  	v9 =	vadd.s32 $0x1D, v3;
	v28 =	vld.idx.msk [tilespmem:v6+s2+$0x0], $0xffff;
	v6 =	vmax.f32 v8, v41  }
0x2d: {  	v27 =	vld.idx.msk [tilespmem:v7+s2+$0x0], $0xffff;
	v6 =	vmax.f32 v6, v23  }
0x2e: {  	v8 =	vld.idx.msk [tilespmem:v2+s2+$0x0], $0xffff;
	v2 =	vmax.f32 v6, v22  }
0x2f: {  	v6 =	vld.idx.msk [tilespmem:v4+s2+$0x0], $0xffff;
	v2 =	vmax.f32 v2, v30  }
0x30: {  	v11 =	vadd.s32 $0x3, v3;
	v4 =	vld.idx.msk [tilespmem:v5+s2+$0x0], $0xffff;
	v5 =	vmax.f32 v2, v29  }
0x31: {  	v16 =	vshll.u32 v1, $0x2;
	v2 =	vld.idx.msk [tilespmem:v9+s2+$0x0], $0xffff;
	v5 =	vmax.f32 v5, v28  }
0x32: {  	v7 =	vor.u32 $0x1, v3;
	v5 =	vmax.f32 v5, v27  }
0x33: {  	v9 =	vadd.s32 $0x2, v3;
	v5 =	vmax.f32 v5, v8  }
0x34: {  	v13 =	vld.idx.msk [tilespmem:v3+s2+$0x0], $0xffff;
	v5 =	vmax.f32 v5, v6  }
0x35: {  	v19 =	vor.u32 $0x1, v16;
	v12 =	vadd.s32 $0x5, v3;
	v11 =	vld.idx.msk [tilespmem:v11+s2+$0x0], $0xffff;
	v5 =	vmax.f32 v5, v4  }
0x36: {  	v20 =	vor.u32 $0x2, v16;
	v26 =	vor.u32 $0x3, v16;
	v16 =	vld.idx.msk [tilespmem:v16+s10+$0x0], $0xffff;
	v10 =	vmax.f32 v5, v2  }
0x37: {  	v7 =	vld.idx.msk [tilespmem:v7+s2+$0x0], $0xffff;
	v14 =	vsub.f32 v38, v10  }
0x38: {  	v17 =	vadd.s32 $0x7, v3;
	v9 =	vld.idx.msk [tilespmem:v9+s2+$0x0], $0xffff;
	v15 =	vsub.f32 v45, v10  }
0x39: {  	v13 =	vmul.f32 $7.142857460e-02, v13;
	v5 =	vadd.s32 $0x6, v3;
	v14 =	vmul.f32 $1.442695020e+00, v14  }
0x3a: {  	v12 =	vld.idx.msk [tilespmem:v12+s2+$0x0], $0xffff;
	v11 =	vmul.f32 $5.000000000e-01, v11;
	v21 =	vsub.f32 v44, v10;
	v15 =	vmul.f32 $1.442695020e+00, v15  }
0x3b: {  	v18 =	vadd.s32 $0x8, v3;
	v49 =	vmul.f32 $7.142857460e-02, v16;
	(erf) = vpow2.f32 v14  }
0x3c: {  	v14 =	vmul.f32 $1.442695020e+00, v21;
	v21 =	vsub.f32 v39, v10;
	(erf) = vpow2.f32 v15  }
0x3d: {  	v31 =	vmul.f32 $7.142857460e-02, v7;
	v32 =	vsub.f32 v43, v10;
	v7 =	vmul.f32 $5.000000000e-01, v9;
	v9 =	vld.idx.msk [tilespmem:v17+s2+$0x0], $0xffff  }
0x3e: {  	v46 =	vsub.f32 v42, v10;
	v5 =	vld.idx.msk [tilespmem:v5+s2+$0x0], $0xffff;
	v21 =	vmul.f32 $1.442695020e+00, v21;
	(erf) = vpow2.f32 v14  }
0x3f: {  	v33 =	vsub.f32 v24, v10;
	v17 =	vadd.s32 $0x9, v3;
	v14 =	vmul.f32 $7.142857460e-02, v12  }
0x40: {  	v15 =	vadd.s32 $0x4, v3;
	v12 =	vld.idx.msk [tilespmem:v18+s2+$0x0], $0xffff;
	v18 =	vmul.f32 $1.442695020e+00, v32;
	(erf) = vpow2.f32 v21  }
0x41: {  	v3 =	vsub.f32 v13, v7;
	v7 =	vadd.f32 v7, v13;
	v13 =	vld.idx.msk [tilespmem:v19+s10+$0x0], $0xffff;
	v19 =	vmul.f32 $1.442695020e+00, v33  }
0x42: {  	v20 =	vld.idx.msk [tilespmem:v20+s10+$0x0], $0xffff;
	v34 =	vsub.f32 v40, v10;
	v32 =	vmul.f32 $1.442695020e+00, v46;
	(erf) = vpow2.f32 v18  }
0x43: {  	v21 =	vmul.f32 $7.142857460e-02, v5;
	v5 =	vsub.f32 v31, v11;
	v18 =	vmul.f32 $5.000000000e-01, v9  }
0x44: {  	v9 =	vadd.f32 v11, v31;
	v31 =	vsub.f32 v25, v10;
	v47 =	vpop (erf);
	(erf) = vpow2.f32 v32  }
0x45: {  	v34 =	vmul.f32 $1.442695020e+00, v34;
	v48 =	vmul.f32 $5.000000000e-01, v12;
	v12 =	vpop (erf)  }
0x46: {  	v31 =	vmul.f32 $1.442695020e+00, v31;
	(erf) = vpow2.f32 v19;
	v33 =	vadd.f32 v12, v47  }
0x47: {  	v11 =	vsub.f32 v14, v18;
	v19 =	vmul.f32 $5.000000000e-01, v20;
	v20 =	vsub.f32 v41, v10;
	v35 =	vpop (erf)  }
0x48: {  	v26 =	vld.idx.msk [tilespmem:v26+s10+$0x0], $0xffff;
	(erf) = vpow2.f32 v31;
	v31 =	vmul.f32 $7.142857460e-02, v13;
	v33 =	vadd.f32 v33, v35  }
0x49: {  	v13 =	vadd.f32 v18, v14;
	v18 =	vsub.f32 v23, v10;
	v20 =	vmul.f32 $1.442695020e+00, v20;
	v14 =	vpop (erf)  }
0x4a: {  	v51 =	vsub.f32 v30, v10;
	(erf) = vpow2.f32 v34;
	v33 =	vadd.f32 v33, v14  }
0x4b: {  	v12 =	vsub.f32 v21, v48;
	v18 =	vmul.f32 $1.442695020e+00, v18;
	v16 =	vpop (erf);
	v14 =	vadd.f32 v48, v21  }
0x4c: {  	(erf) = vpow2.f32 v20;
	v21 =	vsub.f32 v22, v10;
	v50 =	vadd.f32 v33, v16  }
0x4d: {  	v26 =	vmul.f32 $5.000000000e-01, v26;
	v52 =	vsub.f32 v28, v10;
	v37 =	vsub.f32 v8, v10;
	v20 =	vpop (erf)  }
0x4e: {  	v21 =	vmul.f32 $1.442695020e+00, v21;
	(erf) = vpow2.f32 v18;
	v32 =	vadd.f32 v50, v20  }
0x4f: {  	v60 =	vsub.f32 v2, v10;
	v57 =	vsub.f32 v9, v5;
	v33 =	vmul.f32 $1.442695020e+00, v51;
	v36 =	vpop (erf)  }
0x50: {  	v18 =	vsub.f32 v29, v10;
	(erf) = vpow2.f32 v21;
	v32 =	vadd.f32 v32, v36  }
0x51: {  	v56 =	vmul.f32 $1.442695020e+00, v52;
	v47 =	vsub.f32 v6, v10;
	v16 =	vsub.f32 v49, v19;
	v53 =	vpop (erf)  }
0x52: {  	v54 =	vmul.f32 $1.442695020e+00, v18;
	(erf) = vpow2.f32 v33;
	v32 =	vadd.f32 v32, v53  }
0x53: {  	v37 =	vmul.f32 $1.442695020e+00, v37;
	v20 =	vsub.f32 v31, v26;
	v18 =	vadd.f32 v26, v31;
	v55 =	vpop (erf)  }
0x54: {  	v31 =	vsub.f32 v27, v10;
	(erf) = vpow2.f32 v54;
	v32 =	vadd.f32 v32, v55  }
0x55: {  	v47 =	vmul.f32 $1.442695020e+00, v47;
	v19 =	vadd.f32 v19, v49;
	v49 =	vsub.f32 v4, v10;
	v46 =	vpop (erf)  }
0x56: {  	v31 =	vmul.f32 $1.442695020e+00, v31;
	(erf) = vpow2.f32 v56;
	v32 =	vadd.f32 v32, v46  }
0x57: {  	v51 =	vmul.u32 $0x14, v1;
	v35 =	vmax.f32 v3, v16;
	v58 =	vmin.f32 v13, v19;
	v48 =	vpop (erf)  }
0x58: {  	[tilespmem:$0x1FFD0] =	vst v1;
	v1 =	vld.idx.msk [tilespmem:v15+s2+$0x0], $0xffff;
	v49 =	vmul.f32 $1.442695020e+00, v49;
	(erf) = vpow2.f32 v31;
	v32 =	vadd.f32 v32, v48  }
0x59: {  	v15 =	vld.idx.msk [tilespmem:v17+s2+$0x0], $0xffff;
	v61 =	vsub.f32 v19, v16;
	v62 =	vor.u32 $0x1, v51;
	v17 =	vadd.s32 $0x7, v51;
	v50 =	vpop (erf)  }
0x5a: {  	v26 =	vmin.f32 v7, v19;
	(erf) = vpow2.f32 v37;
	v32 =	vadd.f32 v32, v50  }
0x5b: {  	v21 =	vmax.f32 v5, v20;
	v36 =	vsub.f32 v7, v3;
	v63 =	vmax.f32 v12, v20;
	v52 =	vpop (erf)  }
0x5c: {  	v34 =	vmin.f32 v9, v18;
	(erf) = vpow2.f32 v47;
	v32 =	vadd.f32 v32, v52  }
0x5d: {  	v26 =	vsub.f32 v26, v35;
	v59 =	vmin.f32 v14, v18;
	v21 =	vsub.f32 v34, v21;
	v54 =	vpop (erf)  }
0x5e: {  	v50 =	vmul.f32 $1.442695020e+00, v60;
	(erf) = vpow2.f32 v49;
	v32 =	vadd.f32 v32, v54  }
0x5f: {  	v53 =	vsub.f32 v18, v20;
	v55 =	vor.u32 $0x2, v51;
	v21 =	vmax.f32 v21, $0.0e+00;
	v54 =	vpop (erf)  }
0x60: {  	v31 =	vmax.f32 v11, v16;
	(erf) = vpow2.f32 v50;
	v32 =	vadd.f32 v32, v54  }
0x61: {  	v33 =	vmul.f32 v57, v36;
	v31 =	vsub.f32 v58, v31;
	v58 =	vsub.f32 v59, v63;
	v59 =	vld.idx.msk [tilespmem:v62+s11+$0x0], $0xffff;
	v56 =	vpop (erf)  }
0x62: {  	v26 =	vmax.f32 v26, $0.0e+00;
	v57 =	vor.u32 $0x3, v51;
	v47 =	vld.idx.msk [tilespmem:v51+s11+$0x0], $0xffff;
	v32 =	vadd.f32 v32, v56  }
0x63: {  	v34 =	vmul.f32 v53, v61;
	v61 =	vsub.f32 v14, v12;
	v48 =	vmul.f32 v21, v26;
	v21 =	vpop (erf)  }
0x64: {  	v37 =	vsub.f32 v13, v11;
	v63 =	vadd.s32 $0x5, v51;
	v21 =	vadd.f32 v32, v21  }
0x65: {  	v26 =	vadd.s32 $0x4, v51;
	v31 =	vmax.f32 v31, $0.0e+00;
	v36 =	vmax.f32 v58, $0.0e+00;
	v35 =	vld.idx.msk [tilespmem:v55+s11+$0x0], $0xffff;
	v62 =	vpop (erf)  }
0x66: {  	v60 =	vadd.f32 v33, v34;
	v33 =	vmul.f32 v61, v37;
	v21 =	vadd.f32 v21, v62  }
0x67: {  	v31 =	vmul.f32 v36, v31;
	v37 =	vadd.s32 $0x13, v51;
	vm0 =	vgt.f32 v59, v47;
	v55 =	vpop (erf)  }
0x68: {  	v59 =	vsel vm0, v59, v47;
	v50 =	vadd.s32 $0x12, v51;
	v54 =	vld.idx.msk [tilespmem:v57+s11+$0x0], $0xffff;
	v36 =	vadd.f32 v21, v55  }
0x69: {  	v45 =	vsel vm0, v45, v38;
	v56 =	vadd.s32 $0x6, v51;
	v32 =	vsub.f32 v60, v48;
	v58 =	vpop (erf)  }
0x6a: {  	v26 =	vld.idx.msk [tilespmem:v26+s11+$0x0], $0xffff;
	vm1 =	vgt.f32 v35, v59;
	v57 =	vadd.f32 v33, v34;
	v36 =	vadd.f32 v36, v58  }
0x6b: {  	v34 =	vsel vm1, v35, v59;
	v59 =	vadd.s32 $0xA, v51;
	v21 =	vmax.f32 v32, $9.999999710e-10  }
0x6c: {  	v33 =	vld.idx.msk [tilespmem:v63+s11+$0x0], $0xffff;
	v32 =	vsub.f32 v57, v31;
	(erf) = vrcp.f32 v21;
	v61 =	vand.u32 $0x7FFFFF, v36  }
0x6d: {  	v60 =	vadd.s32 $0x8, v51;
	vm2 =	vgt.f32 v54, v34;
	v46 =	vor.u32 $0x3F800000, v61  }
0x6e: {  	v34 =	vsel vm2, v54, v34;
	v49 =	vld.idx.msk [tilespmem:v56+s11+$0x0], $0xffff;
	v32 =	vmax.f32 v32, $9.999999710e-10;
	v56 =	vadd.f32 $1.000000000e+00, v46  }
0x6f: {  	s15 =	simm.s32 $0x10;
	vm3 =	vgt.f32 v26, v34;
	v57 =	vadd.s32 $0x9, v51;
	(erf) = vrcp.f32 v32  }
0x70: {  	v35 =	vor.u32 s15, v0;
	v58 =	vld.idx.msk [tilespmem:v17+s11+$0x0], $0xffff;
	v17 =	vsel vm3, v26, v34;
	(erf) = vrcp.f32 v56  }
0x71: {  	v44 =	vsel vm1, v44, v45;
	v62 =	vmul.f32 v1, v1;
	vm4 =	vgt.f32 v33, v17  }
0x72: {  	v54 =	vadd.s32 $0xC, v51;
	v63 =	vld.idx.msk [tilespmem:v60+s11+$0x0], $0xffff;
	v26 =	vmul.f32 v15, v15;
	v33 =	vsel vm4, v33, v17  }
0x73: {  	v44 =	vsel vm2, v39, v44;
	v55 =	vld.idx.msk [tilespmem:v59+s11+$0x0], $0xffff;
	vm5 =	vgt.f32 v49, v33;
	v61 =	vadd.s32 $0xB, v51  }
0x74: {  	v59 =	vadd.s32 $0xE, v51;
	v26 =	vadd.f32 v26, v62;
	v62 =	vsel vm5, v49, v33;
	v49 =	vld.idx.msk [tilespmem:v57+s11+$0x0], $0xffff  }
0x75: {  	v43 =	vsel vm3, v43, v44;
	v17 =	vimm.f32 $0.0e+00;
	vm6 =	vgt.f32 v58, v62;
	v60 =	vpop (erf)  }
0x76: {  	v42 =	vsel vm4, v42, v43;
	v32 =	vmul.f32 v60, v48;
	v48 =	vsel vm6, v58, v62  }
0x77: {  	v33 =	vmul.u32 $0x1E, v35;
	v56 =	vadd.s32 $0xD, v51;
	vm7 =	vgt.f32 v63, v48  }
0x78: {  	v57 =	vadd.s32 $0x10, v51;
	v46 =	vadd.f32 $-1.000000000e+00, v46;
	v47 =	vld.idx.msk [tilespmem:v61+s11+$0x0], $0xffff;
	v34 =	vpop (erf);
	v48 =	vsel vm7, v63, v48  }
0x79: {  	v58 =	vadd.s32 $0x11, v51;
	v60 =	vadd.s32 $0xF, v51;
	vm8 =	vgt.f32 v49, v48;
	v51 =	vpop (erf)  }
0x7a: {  	v24 =	vsel vm5, v24, v42;
	v61 =	vld.idx.msk [tilespmem:v54+s11+$0x0], $0xffff;
	v48 =	vsel vm8, v49, v48;
	v38 =	vmul.f32 v51, v46  }
0x7b: {  	v52 =	vadd.s32 $0x13, v33;
	v53 =	vadd.s32 $0x11, v33;
	vm1 =	vgt.f32 v55, v48  }
0x7c: {  	v42 =	vadd.s32 $0xD, v33;
	v63 =	vld.idx.msk [tilespmem:v56+s11+$0x0], $0xffff;
	v51 =	vsel vm1, v55, v48;
	v39 =	vmul.f32 v38, v38  }
0x7d: {  	v24 =	vsel vm6, v25, v24;
	v45 =	vadd.s32 $0xC, v33;
	vm3 =	vgt.f32 v47, v51  }
0x7e: {  	v24 =	vsel vm7, v40, v24;
	v55 =	vld.idx.msk [tilespmem:v59+s11+$0x0], $0xffff;
	v56 =	vsel vm3, v47, v51;
	v59 =	vmul.f32 $1.428571490e-01, v39  }
0x7f: {  	v54 =	vadd.s32 $0xF, v33;
	v24 =	vsel vm8, v41, v24;
	vm2 =	vgt.f32 v61, v56  }
0x80: {  	v23 =	vsel vm1, v23, v24;
	v25 =	vsel vm2, v61, v56;
	v62 =	vadd.f32 $2.000000030e-01, v59  }
0x81: {  	v40 =	vld.idx.msk [tilespmem:v57+s11+$0x0], $0xffff;
	v24 =	vimm.f32 $0.0e+00;
	v46 =	vadd.s32 $0xA, v33;
	vm0 =	vgt.f32 v63, v25  }
0x82: {  	v41 =	vld.idx.msk [tilespmem:v60+s11+$0x0], $0xffff;
	v44 =	vsel vm3, v22, v23;
	v25 =	vsel vm0, v63, v25;
	v63 =	vmul.f32 v62, v39  }
0x83: {  	[tilespmem:$0x1FFE0] =	vst v1;
	v60 =	vld.idx.msk [tilespmem:v58+s11+$0x0], $0xffff;
	v23 =	vimm.f32 $0.0e+00;
	v22 =	vimm.f32 $0.0e+00;
	vm1 =	vgt.f32 v55, v25  }
0x84: {  	[tilespmem:$0x1FFF0] =	vst v15;
	s15 =	simm.s32 $0x20;
	v51 =	vld.idx.msk [tilespmem:v33+s2+$0x0], $0xffff;
	v43 =	vsel vm1, v55, v25;
	v25 =	vimm.f32 $0.0e+00;
	v57 =	vadd.f32 $3.333333430e-01, v63  }
.LBB2_2:
0x85: {  	_ = 	snop  }
0x86: {  	v47 =	vadd.s32 $0xB, v33;
	v56 =	vld.idx.msk [tilespmem:v50+s11+$0x0], $0xffff  }
0x87: {  	v0 =	vld [tilespmem:$0x1FFD0];
	v39 =	vmul.f32 v57, v39  }
0x88: {  	v58 =	vadd.f32 v38, v38;
	v38 =	vld.idx.msk [tilespmem:v46+s2+$0x0], $0xffff;
	v61 =	vadd.s32 $0x10, v33  }
0x89: {  	v30 =	vsel vm2, v30, v44;
	v1 =	vld [tilespmem:$0x1FFF0];
	v39 =	vadd.f32 $1.000000000e+00, v39  }
0x8a: {  	v36 =	vshra.s32 v36, $0x17;
	v29 =	vsel vm0, v29, v30;
	v57 =	vld.idx.msk [tilespmem:v37+s11+$0x0], $0xffff;
	vm2 =	vgt.f32 v41, v43  }
0x8b: {  	v30 =	vadd.s32 $0xFFFFFF81, v36;
	v41 =	vsel vm2, v41, v43;
	v59 =	vmul.f32 v39, v58;
	v39 =	vld.idx.msk [tilespmem:v47+s2+$0x0], $0xffff  }
0x8c: {  	v48 =	vadd.s32 $0xE, v33;
	v21 =	vmovc v35;
	v30 =	vcvt.s32.f32 v30;
	v43 =	vld.idx.msk [tilespmem:v54+s2+$0x0], $0xffff;
	vm0 =	vgt.f32 v40, v41  }
0x8d: {  	v35 =	vshll.u32 v21, $0x2;
	v28 =	vsel vm1, v28, v29;
	v44 =	vld.idx.msk [tilespmem:v61+s2+$0x0], $0xffff;
	v29 =	vsel vm0, v40, v41  }
0x8e: {  	v30 =	vmul.f32 $6.931471820e-01, v30;
	v27 =	vsel vm2, v27, v28;
	v47 =	vld.idx.msk [tilespmem:v52+s2+$0x0], $0xffff;
	vm1 =	vgt.f32 v60, v29  }
0x8f: {  	v58 =	vor.u32 $0x1, v35;
	v40 =	vld.idx.msk [tilespmem:v45+s2+$0x0], $0xffff;
	v8 =	vsel vm0, v8, v27;
	v28 =	vsel vm1, v60, v29  }
0x90: {  	v27 =	vadd.f32 v59, v30;
	v41 =	vld.idx.msk [tilespmem:v42+s2+$0x0], $0xffff;
	v6 =	vsel vm1, v6, v8;
	vm0 =	vgt.f32 v56, v28  }
0x91: {  	v37 =	vld.idx.msk [tilespmem:v0+s12+$0x0], $0xffff;
	v29 =	vadd.s32 $0x12, v33;
	v8 =	vsel vm0, v56, v28;
	v4 =	vsel vm0, v4, v6  }
0x92: {  	v42 =	vld.idx.msk [tilespmem:v48+s2+$0x0], $0xffff;
	v6 =	vadd.f32 v27, v10;
	vm0 =	vgt.f32 v57, v8;
	v8 =	vadd.s32 $0x14, v33  }
0x93: {  	v45 =	vld.idx.msk [tilespmem:v53+s2+$0x0], $0xffff;
	v59 =	vor.u32 $0x2, v35;
	v2 =	vsel vm0, v2, v4;
	v4 =	vadd.s32 $0x15, v33  }
0x94: {  	v0 =	vld [tilespmem:$0x1FFE0];
	v27 =	vmax.f32 v38, v39;
	v28 =	vadd.s32 $0x17, v33;
	v2 =	vsub.f32 v6, v2  }
0x95: {  	v60 =	vor.u32 $0x3, v35;
	v35 =	vld.idx.msk [tilespmem:v35+s10+$0x0], $0xffff;
	v27 =	vmax.f32 v27, v40;
	v6 =	vadd.s32 $0x16, v33  }
0x96: {  	v62 =	vadd.s32 $0x18, v33;
	v27 =	vmax.f32 v27, v41;
	v46 =	vld.idx.msk [tilespmem:v29+s2+$0x0], $0xffff;
	v2 =	vmul.f32 v2, v37  }
0x97: {  	v27 =	vmax.f32 v27, v42;
	v48 =	vld.idx.msk [tilespmem:v8+s2+$0x0], $0xffff;
	v8 =	vadd.s32 $0x19, v33  }
0x98: {  	v17 =	vadd.f32 v2, v17;
	v49 =	vld.idx.msk [tilespmem:v4+s2+$0x0], $0xffff;
	v2 =	vadd.s32 $0x1A, v33;
	v4 =	vmax.f32 v27, v43  }
0x99: {  	v55 =	vadd.s32 $0x1C, v33;
	v36 =	vadd.s32 $0x2, v33;
	v29 =	vld.idx.msk [tilespmem:v28+s2+$0x0], $0xffff;
	v4 =	vmax.f32 v4, v44  }
0x9a: {  	v50 =	vadd.s32 $0x1D, v33;
	v30 =	vld.idx.msk [tilespmem:v6+s2+$0x0], $0xffff;
	v6 =	vadd.s32 $0x1B, v33;
	v4 =	vmax.f32 v4, v45  }
0x9b: {  	v31 =	vmul.f32 v34, v31;
	v51 =	vmul.f32 $7.142857460e-02, v51;
	v28 =	vld.idx.msk [tilespmem:v62+s2+$0x0], $0xffff;
	v4 =	vmax.f32 v4, v46  }
0x9c: {  	v52 =	vadd.s32 $0x3, v33;
	v54 =	vadd.s32 $0x6, v33;
	v27 =	vld.idx.msk [tilespmem:v8+s2+$0x0], $0xffff;
	v4 =	vmax.f32 v4, v47  }
0x9d: {  	v10 =	vor.u32 $0x1, v33;
	vm0 =	vgt.f32 v31, v32;
	v8 =	vld.idx.msk [tilespmem:v2+s2+$0x0], $0xffff;
	v2 =	vmax.f32 v4, v48  }
0x9e: {  	v61 =	vadd.s32 $0x4, v33;
	v3 =	vsel vm0, v11, v3;
	v11 =	vld.idx.msk [tilespmem:v36+s2+$0x0], $0xffff;
	v2 =	vmax.f32 v2, v49  }
0x9f: {  	v53 =	vadd.s32 $0x5, v33;
	v56 =	vadd.s32 $0x7, v33;
	v6 =	vld.idx.msk [tilespmem:v6+s2+$0x0], $0xffff;
	v34 =	vmax.f32 v2, v30  }
0xa0: {  	v57 =	vadd.s32 $0x8, v33;
	v5 =	vsel vm0, v12, v5;
	v4 =	vld.idx.msk [tilespmem:v55+s2+$0x0], $0xffff;
	v63 =	vmax.f32 v34, v29  }
0xa1: {  	v7 =	vsel vm0, v13, v7;
	v55 =	vadd.s32 $0x9, v33;
	v2 =	vld.idx.msk [tilespmem:v50+s2+$0x0], $0xffff;
	v33 =	vmax.f32 v63, v28  }
0xa2: {  	v9 =	vsel vm0, v14, v9;
	v32 =	vsel vm0, v31, v32;
	v50 =	vld.idx.msk [tilespmem:v10+s2+$0x0], $0xffff;
	v10 =	vmax.f32 v33, v27  }
0xa3: {  	v12 =	vld.idx.msk [tilespmem:v52+s2+$0x0], $0xffff;
	v3 =	vsub.f32 v3, v16;
	v5 =	vsub.f32 v5, v20;
	v10 =	vmax.f32 v10, v8  }
0xa4: {  	v13 =	vld.idx.msk [tilespmem:v53+s2+$0x0], $0xffff;
	v7 =	vsub.f32 v7, v19;
	v16 =	vsub.f32 v9, v18;
	v10 =	vmax.f32 v10, v6  }
0xa5: {  	v14 =	vld.idx.msk [tilespmem:v54+s2+$0x0], $0xffff;
	v3 =	vmul.f32 v3, v3;
	v5 =	vmul.f32 v5, v5;
	v10 =	vmax.f32 v10, v4  }
0xa6: {  	v31 =	vld.idx.msk [tilespmem:v58+s10+$0x0], $0xffff;
	v52 =	vmul.f32 $7.142857460e-02, v35;
	v7 =	vmul.f32 v7, v7;
	v10 =	vmax.f32 v10, v2  }
0xa7: {  	v58 =	vld.idx.msk [tilespmem:v59+s10+$0x0], $0xffff;
	v36 =	vmul.f32 v16, v16;
	v3 =	vadd.f32 v5, v3;
	v5 =	vsub.f32 v38, v10  }
0xa8: {  	v9 =	vld.idx.msk [tilespmem:v56+s2+$0x0], $0xffff;
	v11 =	vmul.f32 $5.000000000e-01, v11;
	v12 =	vmul.f32 $5.000000000e-01, v12;
	v20 =	vsub.f32 v39, v10  }
0xa9: {  	v25 =	vadd.f32 v37, v25;
	v13 =	vmul.f32 $7.142857460e-02, v13;
	v5 =	vmul.f32 $1.442695020e+00, v5  }
0xaa: {  	v33 =	vadd.f32 v3, v7;
	v15 =	vsub.f32 v40, v10;
	v7 =	vmul.f32 $1.442695020e+00, v20  }
0xab: {  	v62 =	vsub.f32 $1.000000000e+00, v37;
	v14 =	vmul.f32 $7.142857460e-02, v14;
	(erf) = vpow2.f32 v5  }
0xac: {  	v20 =	vld.idx.msk [tilespmem:v60+s10+$0x0], $0xffff;
	v59 =	vmul.f32 $1.442695020e+00, v15;
	v60 =	vsub.f32 v41, v10;
	(erf) = vpow2.f32 v7  }
0xad: {  	v54 =	vmul.f32 $5.000000000e-01, v58;
	v34 =	vsel vm0, v1, v0;
	v63 =	vmul.f32 $5.000000000e-01, v9  }
0xae: {  	v19 =	vld.idx.msk [tilespmem:v57+s2+$0x0], $0xffff;
	v57 =	vsub.f32 v42, v10;
	v9 =	vmul.f32 $1.442695020e+00, v60;
	(erf) = vpow2.f32 v59  }
0xaf: {  	v0 =	vld.idx.msk [tilespmem:v61+s2+$0x0], $0xffff;
	v3 =	vsub.f32 v51, v11;
	v18 =	vmul.f32 $7.142857460e-02, v50;
	v58 =	vsub.f32 v43, v10  }
0xb0: {  	v7 =	vadd.f32 v11, v51;
	v11 =	vmul.f32 $1.442695020e+00, v57;
	(erf) = vpow2.f32 v9  }
0xb1: {  	v1 =	vld.idx.msk [tilespmem:v55+s2+$0x0], $0xffff;
	v5 =	vsub.f32 v18, v12;
	v55 =	vmul.f32 $5.000000000e-01, v20;
	v20 =	vsub.f32 v44, v10  }
0xb2: {  	v9 =	vadd.f32 v12, v18;
	v18 =	vmul.f32 $1.442695020e+00, v58;
	(erf) = vpow2.f32 v11  }
0xb3: {  	v19 =	vmul.f32 $5.000000000e-01, v19;
	v15 =	vmul.f32 $1.442695020e+00, v20;
	v20 =	vsub.f32 v45, v10  }
0xb4: {  	v50 =	vmul.f32 v0, v0;
	v61 =	vsub.f32 v47, v10;
	v59 =	vpop (erf);
	(erf) = vpow2.f32 v18  }
0xb5: {  	[tilespmem:$0x1FFE0] =	vst v0;
	v12 =	vsub.f32 v14, v19;
	v14 =	vadd.f32 v19, v14;
	v0 =	vmul.f32 $1.442695020e+00, v20;
	v60 =	vpop (erf)  }
0xb6: {  	v18 =	vsub.f32 v46, v10;
	(erf) = vpow2.f32 v15;
	v35 =	vadd.f32 v60, v59  }
0xb7: {  	v31 =	vmul.f32 $7.142857460e-02, v31;
	v58 =	vsub.f32 v7, v3;
	v11 =	vsub.f32 v13, v63;
	v16 =	vpop (erf)  }
0xb8: {  	v18 =	vmul.f32 $1.442695020e+00, v18;
	(erf) = vpow2.f32 v0;
	v19 =	vadd.f32 v35, v16  }
0xb9: {  	v13 =	vadd.f32 v63, v13;
	v63 =	vsub.f32 v48, v10;
	v20 =	vpop (erf);
	v35 =	vmul.f32 v26, v62  }
0xba: {  	v26 =	vmul.f32 $1.442695020e+00, v61;
	(erf) = vpow2.f32 v18;
	v19 =	vadd.f32 v19, v20  }
0xbb: {  	v56 =	vmul.f32 $1.442695020e+00, v63;
	v63 =	vsub.f32 v29, v10;
	v0 =	vsub.f32 v13, v11;
	v60 =	vpop (erf)  }
0xbc: {  	v18 =	vsub.f32 v49, v10;
	(erf) = vpow2.f32 v26;
	v53 =	vadd.f32 v19, v60  }
0xbd: {  	v51 =	vmul.f32 v1, v1;
	v16 =	vsub.f32 v52, v54;
	v26 =	vsub.f32 v30, v10;
	v61 =	vpop (erf)  }
0xbe: {  	v62 =	vmul.f32 $1.442695020e+00, v18;
	(erf) = vpow2.f32 v56;
	v53 =	vadd.f32 v53, v61  }
0xbf: {  	v20 =	vsub.f32 v31, v55;
	v57 =	vmax.f32 v3, v16;
	v18 =	vadd.f32 v55, v31;
	v59 =	vpop (erf)  }
0xc0: {  	v26 =	vmul.f32 $1.442695020e+00, v26;
	(erf) = vpow2.f32 v62;
	v53 =	vadd.f32 v53, v59  }
0xc1: {  	v19 =	vadd.f32 v54, v52;
	v52 =	vmax.f32 v5, v20;
	v54 =	vsub.f32 v28, v10;
	v60 =	vpop (erf)  }
0xc2: {  	v56 =	vmul.f32 $1.442695020e+00, v63;
	(erf) = vpow2.f32 v26;
	v53 =	vadd.f32 v53, v60  }
0xc3: {  	v55 =	vmin.f32 v9, v18;
	v54 =	vmul.f32 $1.442695020e+00, v54;
	v15 =	vsub.f32 v19, v16;
	v61 =	vpop (erf)  }
0xc4: {  	v26 =	vsub.f32 v27, v10;
	(erf) = vpow2.f32 v56;
	v53 =	vadd.f32 v53, v61  }
0xc5: {  	v31 =	vmin.f32 v7, v19;
	v59 =	vsub.f32 v9, v5;
	v56 =	vsub.f32 v8, v10;
	v63 =	vpop (erf)  }
0xc6: {  	v26 =	vmul.f32 $1.442695020e+00, v26;
	(erf) = vpow2.f32 v54;
	v53 =	vadd.f32 v53, v63  }
0xc7: {  	[tilespmem:$0x1FFF0] =	vst v1;
	v62 =	vmin.f32 v14, v18;
	v31 =	vsub.f32 v31, v57;
	v54 =	vsub.f32 v6, v10;
	v1 =	vpop (erf)  }
0xc8: {  	(erf) = vpow2.f32 v26;
	v1 =	vadd.f32 v53, v1;
	v53 =	vmul.f32 $1.442695020e+00, v56  }
0xc9: {  	v60 =	vmin.f32 v13, v19;
	v54 =	vmul.f32 $1.442695020e+00, v54;
	v56 =	vmul.f32 v59, v58;
	v59 =	vpop (erf)  }
0xca: {  	v26 =	vsub.f32 v4, v10;
	v1 =	vadd.f32 v1, v59;
	(erf) = vpow2.f32 v53  }
0xcb: {  	[tilespmem:$0x1FFD0] =	vst v21;
	v61 =	vmax.f32 v11, v16;
	v53 =	vmul.u32 $0x14, v21;
	v59 =	vsub.f32 v2, v10;
	v21 =	vpop (erf)  }
0xcc: {  	(erf) = vpow2.f32 v54;
	v1 =	vadd.f32 v1, v21;
	v21 =	vmul.f32 $1.442695020e+00, v26  }
0xcd: {  	v63 =	vmax.f32 v12, v20;
	v58 =	vsub.f32 v14, v12;
	v54 =	vsub.f32 v18, v20;
	v57 =	vpop (erf)  }
0xce: {  	v1 =	vadd.f32 v1, v57;
	v57 =	vmul.f32 $1.442695020e+00, v59;
	(erf) = vpow2.f32 v21  }
0xcf: {  	v26 =	vor.u32 $0x1, v53;
	v21 =	vsub.f32 v55, v52;
	v52 =	vsub.f32 v60, v61;
	v61 =	vpop (erf)  }
0xd0: {  	v0 =	vmul.f32 v58, v0;
	v1 =	vadd.f32 v1, v61;
	(erf) = vpow2.f32 v57  }
0xd1: {  	v58 =	vor.u32 $0x2, v53;
	v15 =	vmul.f32 v54, v15;
	v60 =	vsub.f32 v62, v63;
	v63 =	vpop (erf)  }
0xd2: {  	v33 =	vadd.f32 v33, v36;
	v31 =	vmax.f32 v31, $0.0e+00;
	v1 =	vadd.f32 v1, v63  }
0xd3: {  	v59 =	vor.u32 $0x3, v53;
	v55 =	vadd.s32 $0x4, v53;
	v57 =	vld.idx.msk [tilespmem:v53+s11+$0x0], $0xffff;
	v21 =	vmax.f32 v21, $0.0e+00;
	v61 =	vpop (erf)  }
0xd4: {  	v0 =	vadd.f32 v0, v15;
	v26 =	vld.idx.msk [tilespmem:v26+s11+$0x0], $0xffff;
	v21 =	vmul.f32 v21, v31;
	v1 =	vadd.f32 v1, v61  }
0xd5: {  	v31 =	vmax.f32 v52, $0.0e+00;
	v52 =	vmax.f32 v60, $0.0e+00;
	v60 =	vadd.f32 v56, v15;
	v15 =	vpop (erf)  }
0xd6: {  	v32 =	vsub.f32 v34, v32;
	v56 =	vld.idx.msk [tilespmem:v58+s11+$0x0], $0xffff;
	v31 =	vmul.f32 v52, v31;
	v1 =	vadd.f32 v1, v15  }
0xd7: {  	v33 =	vmul.f32 v33, v37;
	v34 =	vadd.s32 $0x5, v53;
	v15 =	vsub.f32 v60, v21;
	v62 =	vpop (erf)  }
0xd8: {  	v63 =	vadd.s32 $0x6, v53;
	v52 =	vld.idx.msk [tilespmem:v59+s11+$0x0], $0xffff;
	v0 =	vsub.f32 v0, v31;
	v1 =	vadd.f32 v1, v62  }
0xd9: {  	v61 =	vadd.s32 $0x7, v53;
	vm0 =	vgt.f32 v26, v57;
	v15 =	vmax.f32 v15, $9.999999710e-10;
	v60 =	vpop (erf)  }
0xda: {  	v54 =	vld.idx.msk [tilespmem:v55+s11+$0x0], $0xffff;
	(erf) = vrcp.f32 v15;
	v15 =	vsel vm0, v26, v57;
	v36 =	vadd.f32 v1, v60  }
0xdb: {  	v0 =	vmax.f32 v0, $9.999999710e-10;
	v26 =	vadd.f32 v51, v50;
	vm1 =	vgt.f32 v56, v15  }
0xdc: {  	v1 =	vld.idx.msk [tilespmem:v34+s11+$0x0], $0xffff;
	(erf) = vrcp.f32 v0;
	v0 =	vsel vm1, v56, v15;
	v62 =	vand.u32 $0x7FFFFF, v36  }
0xdd: {  	v15 =	vadd.s32 $0x8, v53;
	vm2 =	vgt.f32 v52, v0;
	v51 =	vor.u32 $0x3F800000, v62  }
0xde: {  	v23 =	vadd.f32 v33, v23;
	v50 =	vld.idx.msk [tilespmem:v63+s11+$0x0], $0xffff;
	v0 =	vsel vm2, v52, v0;
	v57 =	vadd.f32 $1.000000000e+00, v51  }
0xdf: {  	v24 =	vadd.f32 v35, v24;
	v63 =	vadd.s32 $0x9, v53;
	vm3 =	vgt.f32 v54, v0  }
0xe0: {  	v58 =	vmul.f32 v32, v37;
	v59 =	vld.idx.msk [tilespmem:v61+s11+$0x0], $0xffff;
	v0 =	vsel vm3, v54, v0;
	(erf) = vrcp.f32 v57  }
0xe1: {  	v37 =	vadd.s32 $0x13, v53;
	v61 =	vadd.s32 $0xA, v53;
	vm4 =	vgt.f32 v1, v0  }
0xe2: {  	v39 =	vsel vm0, v39, v38;
	v60 =	vmul.f32 v58, v32;
	v15 =	vld.idx.msk [tilespmem:v15+s11+$0x0], $0xffff;
	v0 =	vsel vm4, v1, v0  }
0xe3: {  	v39 =	vsel vm1, v40, v39;
	v1 =	vadd.s32 $0xB, v53;
	v62 =	vpop (erf);
	vm5 =	vgt.f32 v50, v0  }
0xe4: {  	v55 =	vld.idx.msk [tilespmem:v63+s11+$0x0], $0xffff;
	v32 =	vmul.f32 v62, v21;
	v21 =	vlaneseq.u32;
	v0 =	vsel vm5, v50, v0  }
0xe5: {  	v35 =	vor.u32 s15, v21;
	v21 =	vadd.s32 $0xC, v53;
	vm6 =	vgt.f32 v59, v0  }
0xe6: {  	v22 =	vadd.f32 v60, v22;
	v60 =	vadd.s32 $0x11, v53;
	v54 =	vld.idx.msk [tilespmem:v61+s11+$0x0], $0xffff;
	v0 =	vsel vm6, v59, v0  }
0xe7: {  	v40 =	vsel vm2, v41, v39;
	v63 =	vadd.s32 $0xD, v53;
	vm7 =	vgt.f32 v15, v0  }
0xe8: {  	v51 =	vadd.f32 $-1.000000000e+00, v51;
	v61 =	vadd.s32 $0xF, v53;
	v34 =	vpop (erf);
	v1 =	vld.idx.msk [tilespmem:v1+s11+$0x0], $0xffff;
	v0 =	vsel vm7, v15, v0  }
0xe9: {  	v40 =	vsel vm3, v42, v40;
	v15 =	vadd.s32 $0xE, v53;
	vm8 =	vgt.f32 v55, v0;
	v62 =	vpop (erf)  }
0xea: {  	v40 =	vsel vm4, v43, v40;
	v21 =	vld.idx.msk [tilespmem:v21+s11+$0x0], $0xffff;
	v0 =	vsel vm8, v55, v0;
	v38 =	vmul.f32 v62, v51  }
0xeb: {  	v57 =	vadd.s32 $0x10, v53;
	v40 =	vsel vm5, v44, v40;
	vm1 =	vgt.f32 v54, v0  }
0xec: {  	v63 =	vld.idx.msk [tilespmem:v63+s11+$0x0], $0xffff;
	v33 =	vmul.u32 $0x1E, v35;
	v0 =	vsel vm1, v54, v0;
	v39 =	vmul.f32 v38, v38  }
0xed: {  	v50 =	vadd.s32 $0x12, v53;
	v40 =	vsel vm6, v45, v40;
	vm3 =	vgt.f32 v1, v0  }
0xee: {  	v52 =	vadd.s32 $0x13, v33;
	v15 =	vld.idx.msk [tilespmem:v15+s11+$0x0], $0xffff;
	v0 =	vsel vm3, v1, v0;
	v1 =	vmul.f32 $1.428571490e-01, v39  }
0xef: {  	p0 =	sne.s32 s15, $0x610;
	v53 =	vadd.s32 $0x11, v33;
	v42 =	vadd.s32 $0xD, v33;
	vm2 =	vgt.f32 v21, v0  }
.Ltmp0:
0xf0: {  	v45 =	vadd.s32 $0xC, v33;
	v0 =	vsel vm2, v21, v0;
	v1 =	vadd.f32 $2.000000030e-01, v1;
	(pc) =	sbr.rel @p0 .LBB2_2-.Ltmp0, $4  }
0xf1: {  	v60 =	vld.idx.msk [tilespmem:v60+s11+$0x0], $0xffff;
	v54 =	vadd.s32 $0xF, v33;
	v21 =	vsel vm7, v46, v40;
	vm0 =	vgt.f32 v63, v0  }
0xf2: {  	v41 =	vld.idx.msk [tilespmem:v61+s11+$0x0], $0xffff;
	v21 =	vsel vm8, v47, v21;
	v0 =	vsel vm0, v63, v0;
	v1 =	vmul.f32 v1, v39  }
0xf3: {  	v51 =	vld.idx.msk [tilespmem:v33+s2+$0x0], $0xffff;
	v46 =	vadd.s32 $0xA, v33;
	v21 =	vsel vm1, v48, v21;
	vm1 =	vgt.f32 v15, v0  }
0xf4: {  	s15 =	sadd.s32 $0x10, s15;
	v40 =	vld.idx.msk [tilespmem:v57+s11+$0x0], $0xffff;
	v44 =	vsel vm3, v49, v21;
	v43 =	vsel vm1, v15, v0;
	v57 =	vadd.f32 $3.333333430e-01, v1  }
0xf5: {  	v0 =	vadd.s32 $0xB, v33;
	_ =	sdelay $0x2  }
0xf6: {  	v1 =	vadd.s32 $0xE, v33  }
0xf7: {  	v56 =	vld.idx.msk [tilespmem:v46+s2+$0x0], $0xffff  }
0xf8: {  	v58 =	vld.idx.msk [tilespmem:v0+s2+$0x0], $0xffff;
	v0 =	vadd.s32 $0x10, v33  }
0xf9: {  	v59 =	vld.idx.msk [tilespmem:v45+s2+$0x0], $0xffff  }
0xfa: {  	v61 =	vld.idx.msk [tilespmem:v42+s2+$0x0], $0xffff;
	v15 =	vadd.s32 $0x12, v33  }
0xfb: {  	v62 =	vld.idx.msk [tilespmem:v1+s2+$0x0], $0xffff  }
0xfc: {  	v63 =	vld.idx.msk [tilespmem:v54+s2+$0x0], $0xffff;
	v1 =	vadd.s32 $0x14, v33  }
0xfd: {  	v54 =	vld.idx.msk [tilespmem:v0+s2+$0x0], $0xffff;
	v0 =	vadd.s32 $0x15, v33;
	v21 =	vmax.f32 v56, v58  }
0xfe: {  	v46 =	vld.idx.msk [tilespmem:v53+s2+$0x0], $0xffff;
	v42 =	vadd.s32 $0x16, v33;
	v21 =	vmax.f32 v21, v59  }
0xff: {  	v55 =	vld.idx.msk [tilespmem:v15+s2+$0x0], $0xffff;
	v15 =	vadd.s32 $0x17, v33;
	v21 =	vmax.f32 v21, v61  }
0x100: {  	v49 =	vld.idx.msk [tilespmem:v52+s2+$0x0], $0xffff;
	v48 =	vadd.s32 $0x18, v33;
	v21 =	vmax.f32 v21, v62  }
0x101: {  	v47 =	vld.idx.msk [tilespmem:v1+s2+$0x0], $0xffff;
	v1 =	vadd.s32 $0x19, v33;
	v21 =	vmax.f32 v21, v63  }
0x102: {  	v53 =	vld.idx.msk [tilespmem:v0+s2+$0x0], $0xffff;
	v0 =	vmax.f32 v21, v54;
	v21 =	vadd.s32 $0x1A, v33  }
0x103: {  	v52 =	vld.idx.msk [tilespmem:v42+s2+$0x0], $0xffff;
	v42 =	vadd.s32 $0x1B, v33;
	v0 =	vmax.f32 v0, v46  }
0x104: {  	[tilespmem:$0x1FED0] =	vst v46;
	v46 =	vld.idx.msk [tilespmem:v15+s2+$0x0], $0xffff;
	v15 =	vadd.s32 $0x1C, v33;
	v0 =	vmax.f32 v0, v55  }
0x105: {  	v45 =	vadd.s32 $0x1D, v33;
	v48 =	vld.idx.msk [tilespmem:v48+s2+$0x0], $0xffff;
	v0 =	vmax.f32 v0, v49  }
0x106: {  	[tilespmem:$0x1FEF0] =	vst v49;
	v49 =	vld.idx.msk [tilespmem:v1+s2+$0x0], $0xffff;
	v0 =	vmax.f32 v0, v47  }
0x107: {  	[tilespmem:$0x1FF00] =	vst v47;
	v47 =	vld.idx.msk [tilespmem:v21+s2+$0x0], $0xffff;
	v0 =	vmax.f32 v0, v53  }
0x108: {  	v42 =	vld.idx.msk [tilespmem:v42+s2+$0x0], $0xffff;
	v0 =	vmax.f32 v0, v52  }
0x109: {  	v15 =	vld.idx.msk [tilespmem:v15+s2+$0x0], $0xffff;
	v0 =	vmax.f32 v0, v46  }
0x10a: {  	v1 =	vld.idx.msk [tilespmem:v45+s2+$0x0], $0xffff;
	v0 =	vmax.f32 v0, v48  }
0x10b: {  	v0 =	vmax.f32 v0, v49  }
0x10c: {  	v0 =	vmax.f32 v0, v47  }
0x10d: {  	v0 =	vmax.f32 v0, v42  }
0x10e: {  	v0 =	vmax.f32 v0, v15  }
0x10f: {  	[tilespmem:$0x1FF60] =	vst v47;
	v47 =	vmax.f32 v0, v1  }
0x110: {  	v0 =	vsub.f32 v56, v47  }
0x111: {  	[tilespmem:$0x1FFA0] =	vst v1;
	v1 =	vsub.f32 v58, v47  }
0x112: {  	v0 =	vmul.f32 $1.442695020e+00, v0  }
0x113: {  	v1 =	vmul.f32 $1.442695020e+00, v1  }
0x114: {  	[tilespmem:$0x1FE60] =	vst v56;
	(erf) = vpow2.f32 v0  }
0x115: {  	[tilespmem:$0x1FE90] =	vst v61;
	(erf) = vpow2.f32 v1  }
0x116: {  	[tilespmem:$0x1FE70] =	vst v58;
	v58 =	vsub.f32 v61, v47;
	v61 =	vadd.s32 $0x3, v33  }
0x117: {  	[tilespmem:$0x1FE80] =	vst v59;
	v1 =	vor.u32 $0x1, v33  }
0x118: {  	vm10 =	vgt.f32 v41, v43;
	[tilespmem:$0x1FEB0] =	vst v63;
	v0 =	vsub.f32 v59, v47  }
0x119: {  	v41 =	vsel vm10, v41, v43;
	[tilespmem:$0x1FEA0] =	vst v62  }
0x11a: {  	vm3 =	vgt.f32 v40, v41;
	[tilespmem:$0x1FEC0] =	vst v54;
	v59 =	vsub.f32 v62, v47;
	v0 =	vmul.f32 $1.442695020e+00, v0  }
0x11b: {  	v56 =	vsel vm2, v30, v44;
	v62 =	vsub.f32 v63, v47;
	v63 =	vsub.f32 v54, v47;
	v54 =	vld.idx.msk [tilespmem:v61+s2+$0x0], $0xffff  }
0x11c: {  	[tilespmem:$0x1FF30] =	vst v46;
	v21 =	vmul.f32 $1.442695020e+00, v58;
	(erf) = vpow2.f32 v0;
	v0 =	vadd.s32 $0x2, v33;
	v1 =	vld.idx.msk [tilespmem:v1+s2+$0x0], $0xffff  }
0x11d: {  	v45 =	vadd.s32 $0x5, v33;
	[tilespmem:$0x1FF80] =	vst v15;
	v15 =	vsel vm0, v29, v56;
	v30 =	vmul.f32 $1.442695020e+00, v59;
	v46 =	vpop (erf)  }
0x11e: {  	v56 =	vadd.s32 $0x7, v33;
	v44 =	vmul.f32 $1.442695020e+00, v62;
	(erf) = vpow2.f32 v21;
	v58 =	vpop (erf)  }
0x11f: {  	(erf) = vpow2.f32 v30;
	v30 =	vshll.u32 v35, $0x2;
	v59 =	vadd.f32 v58, v46;
	v46 =	vld [tilespmem:$0x1FED0]  }
0x120: {  	v21 =	vmul.f32 $1.442695020e+00, v63;
	v63 =	vmul.f32 $7.142857460e-02, v51;
	v51 =	vor.u32 $0x2, v30  }
0x121: {  	v15 =	vsel vm1, v28, v15;
	v28 =	vmul.f32 $5.000000000e-01, v54;
	v0 =	vld.idx.msk [tilespmem:v0+s2+$0x0], $0xffff;
	v1 =	vmul.f32 $7.142857460e-02, v1  }
0x122: {  	v40 =	vsel vm3, v40, v41;
	v29 =	vld.idx.msk [tilespmem:v45+s2+$0x0], $0xffff;
	v15 =	vsel vm10, v27, v15  }
0x123: {  	[tilespmem:$0x1FE40] =	vst v40;
	v27 =	vadd.s32 $0x6, v33;
	v40 =	vld.idx.msk [tilespmem:v56+s2+$0x0], $0xffff;
	(erf) = vpow2.f32 v44;
	v44 =	vsub.f32 v1, v28  }
0x124: {  	[tilespmem:$0x1FF70] =	vst v42;
	v42 =	vsub.f32 v46, v47;
	v46 =	vadd.f32 v28, v1;
	v1 =	vld [tilespmem:$0x1FEF0]  }
0x125: {  	v41 =	vadd.s32 $0x8, v33;
	v28 =	vld.idx.msk [tilespmem:v51+s10+$0x0], $0xffff  }
0x126: {  	v61 =	vsub.f32 v55, v47;
	(erf) = vpow2.f32 v21;
	v62 =	vpop (erf);
	v0 =	vmul.f32 $5.000000000e-01, v0;
	v51 =	vld [tilespmem:$0x1FF00]  }
0x127: {  	[tilespmem:$0x1FE50] =	vst v15;
	v45 =	vmul.f32 $7.142857460e-02, v29;
	v15 =	vadd.f32 v59, v62;
	v42 =	vmul.f32 $1.442695020e+00, v42  }
0x128: {  	v21 =	vld.idx.msk [tilespmem:v27+s2+$0x0], $0xffff;
	v58 =	vsub.f32 v63, v0;
	v56 =	vadd.f32 v0, v63;
	v0 =	vmul.f32 $1.442695020e+00, v61  }
0x129: {  	[tilespmem:$0x1FEE0] =	vst v55;
	v54 =	vor.u32 $0x1, v30;
	v55 =	vld.idx.msk [tilespmem:v30+s10+$0x0], $0xffff;
	v63 =	vpop (erf);
	(erf) = vpow2.f32 v42;
	v1 =	vsub.f32 v1, v47  }
0x12a: {  	v30 =	vor.u32 $0x3, v30;
	v15 =	vadd.f32 v15, v63;
	(erf) = vpow2.f32 v0;
	v0 =	vld.idx.msk [tilespmem:v41+s2+$0x0], $0xffff  }
0x12b: {  	v40 =	vmul.f32 $5.000000000e-01, v40;
	v29 =	vsub.f32 v51, v47;
	v42 =	vpop (erf);
	v1 =	vmul.f32 $1.442695020e+00, v1  }
0x12c: {  	[tilespmem:$0x1FF10] =	vst v53;
	v53 =	vsub.f32 v53, v47;
	v15 =	vadd.f32 v15, v42  }
0x12d: {  	v59 =	vadd.f32 v40, v45;
	v63 =	vpop (erf);
	v29 =	vmul.f32 $1.442695020e+00, v29;
	(erf) = vpow2.f32 v1  }
0x12e: {  	v15 =	vadd.f32 v15, v63;
	v63 =	vsub.f32 v45, v40;
	v45 =	vmul.f32 $7.142857460e-02, v21  }
0x12f: {  	v27 =	vmul.u32 $0x14, v35;
	v30 =	vld.idx.msk [tilespmem:v30+s10+$0x0], $0xffff;
	v0 =	vmul.f32 $5.000000000e-01, v0;
	v1 =	vpop (erf);
	(erf) = vpow2.f32 v29  }
0x130: {  	v28 =	vmul.f32 $5.000000000e-01, v28;
	v29 =	vld.idx.msk [tilespmem:v54+s10+$0x0], $0xffff;
	v54 =	vsub.f32 v52, v47;
	v1 =	vadd.f32 v15, v1  }
0x131: {  	v40 =	vmul.f32 $7.142857460e-02, v55;
	v61 =	vsub.f32 v45, v0;
	v62 =	vadd.f32 v0, v45;
	v0 =	vld [tilespmem:$0x1FF30]  }
0x132: {  	v43 =	vor.u32 $0x1, v27;
	v21 =	vmul.f32 $1.442695020e+00, v53;
	v55 =	vpop (erf);
	v42 =	vmul.f32 $1.442695020e+00, v54  }
0x133: {  	v41 =	vor.u32 $0x2, v27;
	v1 =	vadd.f32 v1, v55  }
0x134: {  	v53 =	vsub.f32 v48, v47;
	(erf) = vpow2.f32 v21;
	v54 =	vsub.f32 v40, v28;
	v51 =	vpop (erf)  }
0x135: {  	v55 =	vadd.f32 v28, v40;
	v40 =	vmul.f32 $5.000000000e-01, v30;
	v1 =	vadd.f32 v1, v51  }
0x136: {  	(erf) = vpow2.f32 v42;
	v29 =	vmul.f32 $7.142857460e-02, v29;
	v45 =	vsub.f32 v0, v47;
	v42 =	vpop (erf)  }
0x137: {  	[tilespmem:$0x1FF20] =	vst v52;
	v43 =	vld.idx.msk [tilespmem:v43+s11+$0x0], $0xffff;
	v15 =	vmul.f32 $1.442695020e+00, v53;
	v1 =	vadd.f32 v1, v42  }
0x138: {  	[tilespmem:$0x1FF40] =	vst v48;
	v0 =	vld.idx.msk [tilespmem:v27+s11+$0x0], $0xffff;
	v51 =	vsub.f32 v29, v40;
	v53 =	vadd.f32 v40, v29;
	v52 =	vmul.f32 $1.442695020e+00, v45;
	v48 =	vpop (erf)  }
0x139: {  	v28 =	vor.u32 $0x3, v27;
	v45 =	vsub.f32 v49, v47;
	v40 =	vadd.f32 v1, v48;
	v1 =	vld [tilespmem:$0x1FF60]  }
0x13a: {  	(erf) = vpow2.f32 v52;
	v52 =	vld [tilespmem:$0x1FF70]  }
0x13b: {  	v21 =	vld.idx.msk [tilespmem:v41+s11+$0x0], $0xffff;
	v42 =	vadd.s32 $0x4, v27;
	v45 =	vmul.f32 $1.442695020e+00, v45  }
0x13c: {  	(erf) = vpow2.f32 v15  }
0x13d: {  	[tilespmem:$0x1FF50] =	vst v49;
	v41 =	vadd.s32 $0x5, v27;
	v30 =	vsub.f32 v56, v58;
	(erf) = vpow2.f32 v45;
	v45 =	vld [tilespmem:$0x1FF80]  }
0x13e: {  	v49 =	vsub.f32 v46, v44;
	v15 =	vld.idx.msk [tilespmem:v28+s11+$0x0], $0xffff;
	vm0 =	vgt.f32 v43, v0;
	v1 =	vsub.f32 v1, v47  }
0x13f: {  	v48 =	vmovc v44;
	v44 =	vadd.s32 $0x6, v27;
	v0 =	vsel vm0, v43, v0;
	v29 =	vsub.f32 v52, v47  }
0x140: {  	v28 =	vld.idx.msk [tilespmem:v42+s11+$0x0], $0xffff;
	vm1 =	vgt.f32 v21, v0;
	v1 =	vmul.f32 $1.442695020e+00, v1  }
0x141: {  	v0 =	vsel vm1, v21, v0;
	v29 =	vmul.f32 $1.442695020e+00, v29  }
0x142: {  	v52 =	vmul.f32 v49, v30;
	v30 =	vpop (erf);
	v21 =	vsub.f32 v45, v47;
	(erf) = vpow2.f32 v1;
	v1 =	vld.idx.msk [tilespmem:v41+s11+$0x0], $0xffff  }
0x143: {  	vm2 =	vgt.f32 v15, v0;
	(erf) = vpow2.f32 v29;
	v29 =	vadd.s32 $0x7, v27  }
0x144: {  	v0 =	vsel vm2, v15, v0;
	v15 =	vmul.f32 $1.442695020e+00, v21;
	v21 =	vld.idx.msk [tilespmem:v44+s11+$0x0], $0xffff  }
0x145: {  	v42 =	vadd.s32 $0x8, v27;
	v40 =	vadd.f32 v40, v30;
	vm4 =	vgt.f32 v28, v0  }
0x146: {  	[tilespmem:$0x1FF90] =	vst v58;
	v58 =	vmax.f32 v58, v54;
	v49 =	vpop (erf);
	v30 =	vmin.f32 v56, v55;
	v0 =	vsel vm4, v28, v0  }
0x147: {  	[tilespmem:$0x1FFB0] =	vst v56;
	v56 =	vmin.f32 v46, v53;
	v40 =	vadd.f32 v40, v49;
	vm5 =	vgt.f32 v1, v0  }
0x148: {  	v49 =	vsub.f32 v30, v58;
	v0 =	vsel vm5, v1, v0;
	v1 =	vmax.f32 v48, v51;
	v28 =	vld.idx.msk [tilespmem:v29+s11+$0x0], $0xffff  }
0x149: {  	[tilespmem:$0x1FFC0] =	vst v46;
	v41 =	vadd.s32 $0x9, v27;
	v46 =	vsub.f32 v56, v1;
	vm6 =	vgt.f32 v21, v0;
	v1 =	vld [tilespmem:$0x1FFA0]  }
0x14a: {  	v44 =	vsub.f32 v59, v63;
	v56 =	vadd.s32 $0xB, v27;
	v0 =	vsel vm6, v21, v0;
	v21 =	vld.idx.msk [tilespmem:v42+s11+$0x0], $0xffff  }
0x14b: {  	v45 =	vpop (erf);
	(erf) = vpow2.f32 v15;
	v15 =	vmin.f32 v59, v55;
	v29 =	vmax.f32 v63, v54  }
0x14c: {  	v58 =	vmov v48;
	v45 =	vadd.f32 v40, v45;
	v48 =	vsub.f32 v15, v29  }
0x14d: {  	v29 =	vsub.f32 v53, v51;
	v42 =	vadd.s32 $0xA, v27;
	vm9 =	vgt.f32 v28, v0  }
0x14e: {  	v30 =	vsub.f32 v1, v47;
	v1 =	vpop (erf);
	v0 =	vsel vm9, v28, v0;
	v28 =	vadd.s32 $0xC, v27  }
0x14f: {  	v40 =	vld.idx.msk [tilespmem:v56+s11+$0x0], $0xffff;
	v56 =	vmax.f32 v61, v51;
	v1 =	vadd.f32 v45, v1;
	vm11 =	vgt.f32 v21, v0  }
0x150: {  	v41 =	vld.idx.msk [tilespmem:v41+s11+$0x0], $0xffff;
	v45 =	vpop (erf);
	v43 =	vmul.f32 $1.442695020e+00, v30;
	v30 =	vsub.f32 v55, v54;
	v0 =	vsel vm11, v21, v0  }
0x151: {  	v21 =	vmax.f32 v49, $0.0e+00;
	v49 =	vmin.f32 v62, v53;
	v1 =	vadd.f32 v1, v45  }
0x152: {  	(erf) = vpow2.f32 v43;
	v30 =	vmul.f32 v29, v30;
	v29 =	vmax.f32 v46, $0.0e+00;
	v46 =	vpop (erf)  }
0x153: {  	v42 =	vld.idx.msk [tilespmem:v42+s11+$0x0], $0xffff;
	v43 =	vsub.f32 v49, v56;
	v1 =	vadd.f32 v1, v46  }
0x154: {  	v15 =	vsub.f32 v62, v61;
	v45 =	vadd.s32 $0xD, v27;
	v49 =	vmax.f32 v48, $0.0e+00;
	v48 =	vpop (erf)  }
0x155: {  	vm7 =	vgt.f32 v41, v0;
	v56 =	vmax.f32 v43, $0.0e+00;
	v1 =	vadd.f32 v1, v48  }
0x156: {  	v46 =	vadd.s32 $0xE, v27;
	v43 =	vld.idx.msk [tilespmem:v28+s11+$0x0], $0xffff;
	v28 =	vmul.f32 v56, v49;
	v49 =	vadd.f32 v52, v30;
	v52 =	vpop (erf)  }
0x157: {  	v0 =	vsel vm7, v41, v0;
	v1 =	vadd.f32 v1, v52;
	v52 =	vadd.s32 $0x10, v27  }
0x158: {  	v15 =	vmul.f32 v15, v44;
	vm8 =	vgt.f32 v42, v0  }
0x159: {  	v29 =	vmul.f32 v29, v21;
	v0 =	vsel vm8, v42, v0;
	v56 =	vadd.s32 $0xF, v27;
	v48 =	vld [tilespmem:$0x1FE40]  }
0x15a: {  	v41 =	vld.idx.msk [tilespmem:v45+s11+$0x0], $0xffff;
	vm10 =	vgt.f32 v40, v0  }
0x15b: {  	v15 =	vadd.f32 v15, v30;
	v0 =	vsel vm10, v40, v0;
	v21 =	vsub.f32 v49, v29;
	v30 =	vld.idx.msk [tilespmem:v46+s11+$0x0], $0xffff;
	v49 =	vpop (erf)  }
0x15c: {  	vm13 =	vgt.f32 v43, v0;
	v1 =	vadd.f32 v1, v49;
	v40 =	vld.idx.msk [tilespmem:v52+s11+$0x0], $0xffff;
	v52 =	vadd.s32 $0x12, v27  }
0x15d: {  	v15 =	vsub.f32 v15, v28;
	v0 =	vsel vm13, v43, v0;
	v43 =	vld.idx.msk [tilespmem:v50+s11+$0x0], $0xffff  }
0x15e: {  	v46 =	vadd.s32 $0x11, v27;
	v21 =	vmax.f32 v21, $9.999999710e-10;
	v44 =	vld.idx.msk [tilespmem:v56+s11+$0x0], $0xffff;
	v56 =	vand.u32 $0x7FFFFF, v1  }
0x15f: {  	v15 =	vmax.f32 v15, $9.999999710e-10;
	(erf) = vrcp.f32 v21;
	v21 =	vor.u32 $0x3F800000, v56;
	v56 =	vld [tilespmem:$0x1FE50]  }
0x160: {  	vm14 =	vgt.f32 v60, v48;
	(erf) = vrcp.f32 v15;
	v15 =	vld.idx.msk [tilespmem:v37+s11+$0x0], $0xffff  }
0x161: {  	v42 =	vsel vm14, v60, v48;
	v60 =	vadd.f32 $1.000000000e+00, v21;
	v50 =	vld.idx.msk [tilespmem:v52+s11+$0x0], $0xffff  }
0x162: {  	vm12 =	vgt.f32 v41, v0;
	v52 =	vld [tilespmem:$0x1FE60]  }
0x163: {  	v0 =	vsel vm12, v41, v0;
	(erf) = vrcp.f32 v60;
	v60 =	vld.idx.msk [tilespmem:v46+s11+$0x0], $0xffff  }
0x164: {  	v8 =	vsel vm3, v8, v56;
	vm3 =	vgt.f32 v30, v0;
	v56 =	vld [tilespmem:$0x1FE70]  }
0x165: {  	v27 =	vadd.s32 $0x13, v27;
	v46 =	vmul.f32 v57, v39;
	v57 =	vld [tilespmem:$0x1FE80];
	v0 =	vsel vm3, v30, v0  }
0x166: {  	v6 =	vsel vm14, v6, v8;
	vm14 =	vgt.f32 v44, v0  }
0x167: {  	vm15 =	vgt.f32 v43, v42;
	v0 =	vsel vm14, v44, v0  }
0x168: {  	v48 =	vsel vm15, v43, v42;
	v4 =	vsel vm15, v4, v6;
	vm15 =	vgt.f32 v40, v0  }
0x169: {  	v39 =	vsel vm0, v56, v52;
	v0 =	vsel vm15, v40, v0  }
0x16a: {  	v27 =	vld.idx.msk [tilespmem:v27+s11+$0x0], $0xffff;
	vm0 =	vgt.f32 v15, v48;
	v15 =	vsel vm1, v57, v39;
	vm1 =	vgt.f32 v60, v0  }
0x16b: {  	v49 =	vshra.s32 v36, $0x17;
	v0 =	vsel vm1, v60, v0;
	v60 =	vld [tilespmem:$0x1FE90]  }
0x16c: {  	v6 =	vadd.s32 $0xFFFFFF81, v49;
	v48 =	vld [tilespmem:$0x1FFD0]  }
0x16d: {  	v38 =	vadd.f32 v38, v38;
	v30 =	vadd.f32 $1.000000000e+00, v46;
	v6 =	vcvt.s32.f32 v6;
	v39 =	vld [tilespmem:$0x1FEA0];
	_ =	sdelay $0x1  }
0x16e: {  	v30 =	vmul.f32 v30, v38;
	v6 =	vmul.f32 $6.931471820e-01, v6  }
0x16f: {  	v42 =	vld [tilespmem:$0x1FEC0];
	v15 =	vsel vm2, v60, v15;
	vm2 =	vgt.f32 v50, v0  }
0x170: {  	v46 =	vld [tilespmem:$0x1FEE0];
	v6 =	vadd.f32 v30, v6;
	v0 =	vsel vm2, v50, v0  }
0x171: {  	v1 =	vshra.s32 v1, $0x17;
	v8 =	vpop (erf);
	v15 =	vsel vm4, v39, v15;
	vm4 =	vgt.f32 v27, v0;
	v0 =	vld [tilespmem:$0x1FEB0]  }
0x172: {  	v21 =	vadd.f32 $-1.000000000e+00, v21;
	v44 =	vld [tilespmem:$0x1FED0];
	v37 =	vpop (erf);
	v6 =	vadd.f32 v6, v10;
	v50 =	vadd.s32 $0x4, v33  }
0x173: {  	v1 =	vadd.s32 $0xFFFFFF81, v1;
	v56 =	vld [tilespmem:$0x1FFE0];
	v2 =	vsel vm0, v2, v4;
	v40 =	vpop (erf)  }
0x174: {  	v52 =	vadd.s32 $0x9, v33;
	v41 =	vmul.f32 v40, v21;
	v2 =	vsub.f32 v6, v2;
	v6 =	vld.idx.msk [tilespmem:v48+s12+$0x0], $0xffff  }
0x175: {  	v1 =	vcvt.s32.f32 v1;
	v57 =	vld [tilespmem:$0x1FFF0]  }
0x176: {  	v43 =	vmul.f32 v34, v31;
	v45 =	vmul.f32 v41, v41;
	v60 =	vld [tilespmem:$0x1FEF0];
	v0 =	vsel vm5, v0, v15  }
0x177: {  	v1 =	vmul.f32 $6.931471820e-01, v1;
	v8 =	vmul.f32 v8, v29;
	v31 =	vld.idx.msk [tilespmem:v50+s2+$0x0], $0xffff;
	v0 =	vsel vm6, v42, v0  }
0x178: {  	v38 =	vld [tilespmem:$0x1FF30];
	v36 =	vadd.f32 v41, v41;
	v49 =	vmul.f32 $1.428571490e-01, v45;
	v0 =	vsel vm9, v44, v0  }
0x179: {  	v34 =	vld.idx.msk [tilespmem:v52+s2+$0x0], $0xffff;
	v2 =	vmul.f32 v2, v6;
	v0 =	vsel vm11, v46, v0;
	vm11 =	vgt.f32 v43, v32  }
0x17a: {  	v27 =	vld [tilespmem:$0x1FF00];
	v3 =	vsel vm11, v11, v3;
	v5 =	vsel vm11, v12, v5;
	v7 =	vsel vm11, v13, v7  }
0x17b: {  	v30 =	vld [tilespmem:$0x1FF10];
	v9 =	vsel vm11, v14, v9;
	v11 =	vadd.f32 $2.000000030e-01, v49;
	v10 =	vsel vm11, v43, v32  }
0x17c: {  	v33 =	vld [tilespmem:$0x1FF20];
	v14 =	vsel vm11, v57, v56;
	v0 =	vsel vm7, v60, v0;
	v41 =	vmul.f32 v31, v31  }
0x17d: {  	v40 =	vld [tilespmem:$0x1FF50];
	v43 =	vmul.f32 v37, v28;
	v56 =	vsub.f32 $1.000000000e+00, v6;
	v3 =	vsub.f32 v3, v16  }
0x17e: {  	v39 =	vld [tilespmem:$0x1FF40];
	v13 =	vmul.f32 v34, v34;
	v5 =	vsub.f32 v5, v20;
	v7 =	vsub.f32 v7, v19  }
0x17f: {  	v57 =	vld.idx.msk [tilespmem:v35+s12+$0x0], $0xffff;
	v0 =	vsel vm8, v27, v0;
	v9 =	vsub.f32 v9, v18;
	v32 =	vsub.f32 v14, v10  }
0x180: {  	v42 =	vld [tilespmem:$0x1FF60];
	v11 =	vmul.f32 v11, v45;
	v0 =	vsel vm10, v30, v0;
	v15 =	vmul.f32 v26, v56  }
0x181: {  	v44 =	vld [tilespmem:$0x1FF70];
	v3 =	vmul.f32 v3, v3;
	v5 =	vmul.f32 v5, v5;
	v0 =	vsel vm13, v33, v0  }
0x182: {  	v48 =	vld [tilespmem:$0x1FF90];
	v20 =	vmul.f32 v7, v7;
	v21 =	vadd.f32 $3.333333430e-01, v11;
	v0 =	vsel vm12, v38, v0  }
0x183: {  	v52 =	vld [tilespmem:$0x1FFB0];
	v9 =	vmul.f32 v9, v9;
	v3 =	vadd.f32 v5, v3;
	v0 =	vsel vm3, v39, v0  }
0x184: {  	v60 =	vsub.f32 $1.000000000e+00, v57;
	v4 =	vmul.f32 v21, v45;
	v0 =	vsel vm14, v40, v0  }
0x185: {  	v46 =	vld [tilespmem:$0x1FF80];
	v45 =	vadd.f32 v13, v41;
	v3 =	vadd.f32 v3, v20;
	v0 =	vsel vm15, v42, v0  }
0x186: {  	vm15 =	vgt.f32 v43, v8;
	v4 =	vadd.f32 $1.000000000e+00, v4;
	v0 =	vsel vm1, v44, v0  }
0x187: {  	v50 =	vld [tilespmem:$0x1FFA0];
	v49 =	vsel vm15, v61, v58;
	v3 =	vadd.f32 v3, v9;
	v9 =	vsel vm15, v63, v48  }
0x188: {  	v13 =	vsel vm15, v59, v52;
	v4 =	vmul.f32 v4, v36;
	v9 =	vsub.f32 v9, v54;
	v54 =	vld [tilespmem:$0x1FFC0]  }
0x189: {  	v8 =	vsel vm15, v43, v8;
	v59 =	vadd.f32 v6, v25;
	v11 =	vsub.f32 v49, v51  }
0x18a: {  	v5 =	vsel vm15, v34, v31;
	v0 =	vsel vm2, v46, v0;
	v1 =	vadd.f32 v4, v1  }
0x18b: {  	v13 =	vsub.f32 v13, v55;
	v11 =	vmul.f32 v11, v11;
	v9 =	vmul.f32 v9, v9  }
0x18c: {  	v5 =	vsub.f32 v5, v8;
	v0 =	vsel vm4, v50, v0;
	v1 =	vadd.f32 v1, v47  }
0x18d: {  	v58 =	vmul.f32 v13, v13;
	v9 =	vadd.f32 v11, v9;
	v14 =	vsel vm15, v62, v54  }
0x18e: {  	v3 =	vmul.f32 v3, v6;
	v0 =	vsub.f32 v1, v0;
	v1 =	vsub.f32 v14, v53  }
0x18f: {  	v61 =	vadd.f32 v15, v24;
	v6 =	vmul.f32 v32, v6;
	v63 =	vmul.f32 v5, v57  }
0x190: {  	v4 =	vmul.f32 v45, v60;
	v9 =	vadd.f32 v9, v58;
	v1 =	vmul.f32 v1, v1  }
0x191: {  	v2 =	vadd.f32 v2, v17;
	v6 =	vmul.f32 v6, v32;
	v0 =	vmul.f32 v0, v57  }
0x192: {  	v4 =	vadd.f32 v4, v61;
	v1 =	vadd.f32 v9, v1  }
0x193: {  	v5 =	vmul.f32 v63, v5;
	v0 =	vadd.f32 v0, v2;
	v2 =	vadd.f32 v6, v22  }
0x194: {  	v3 =	vadd.f32 v3, v23;
	v62 =	vadd.f32 v57, v59;
	[tilespmem:$0x15280] =	vst v4;
	v1 =	vmul.f32 v1, v57  }
0x195: {  	[tilespmem:$0x15200] =	vst v0;
	v0 =	vadd.f32 v5, v2  }
0x196: {  	s14 =	sadd.s32 $0x1, s14;
	[tilespmem:$0x15180] =	vst v62;
	v1 =	vadd.f32 v1, v3  }
0x197: {  	p0 =	sne.s32 s14, s8;
	[tilespmem:$0x15380] =	vst v0  }
.Ltmp1:
0x198: {  	[tilespmem:$0x15300] =	vst v1;
	(pc) =	sbr.rel @p0 .LBB2_1-.Ltmp1, $4  }
0x199: {  	[hbm4b:s7+s2] =	stream.linear.scatter [tilespmem:s13], [sflag:$0x1], $0x280, $0x38;
	[tilespmem:$0x15580] =	vst v63  }
0x19a: {  	_ =	swait.ge [sflag:s9], $0x280  }
0x19b: {  	[sflag:s9] =	ssyncset.done $0x0  }
0x19c: {  	v0 =	vlaneseq.u32;
	[sflag:s9] =	ssyncadd.s32 $0xFFFFFD80  }
0x19d: {  	_ =	sfence.sel $0x180000  }
0x19e: {  	[bflag:$0x0] =	sbarrier.arrive $0xFFFF  }
0x19f: {  	p0 =	sne.s32 s1, $0x0;
	_ =	strace $0x90000047  }
0x1a0: {  	s0 =	sadd.s32 @!p0 $0x100000, s0;
	[bflag:$0x2] =	sbarrier.arrive $0xFFFF  }
0x1a1: {  	[sflag:s0] =	ssyncadd.tile.s32 @!p0 $0x1;
	_ =	shalt  }
.Lfunc_end2:
_tile_overlayer_lowered:
.L_overlay_start_2:
0x1a2: {  	(tag) =	ssettag $0x2  }
0x1a3: {  	s0 =	rddreg [dreg:$0x0];
	s2 =	stileid.u32  }
0x1a4: {  	s1 =	rddreg [dreg:$0x1];
	p0 =	sne.s32 s2, $0x0  }
0x1a5: {  	s3 =	rddreg [dreg:$0x2];
	[bflag:$0x3] =	sbarrier.arrive $0xFFFF;
	s2 =	simm.s32 @!p0 $0x1C01  }
0x1a6: {  	[timem:s3], [sflag:s2] =	dma.local @!p0 [hbm:s0], s1  }
0x1a7: {  	s0 =	simm.s32 @!p0 $0x1  }
0x1a8: {  	_ =	swait.ge @!p0 [sflag:s0], s1  }
0x1a9: {  	s1 =	ssub.s32 @!p0 $0x0, s1;
	[sflag:s0] =	ssyncset.done @!p0 $0x0  }
0x1aa: {  	[sflag:s0] =	ssyncadd.s32 @!p0 s1  }
0x1ab: {  	[bflag:$0x3] =	sbarrier.arrive $0xFFFF  }
0x1ac: {  	_ =	shalt  }

</sc_bundles>
